<compile_context>
chip_gen: v7x
topology: tpu7x:2x2x1
jax: 0.10.2.dev20260603
libtpu: 0.0.44.dev20260713+nightly
codegen_flags: <defaults>
</compile_context>

<pallas_src>
import functools

import jax
import jax.numpy as jnp
from jax import lax
from jax.experimental import pallas as pl
from jax.experimental.pallas import tpu as pltpu
from jax.experimental.pallas import tpu_sc as plsc

B = 16384
HIST = 50
D_UID = 64
D_SP = 32
D_AR = 32
DNN_H = 256
DNN_OUT = 128

NC, NS = 2, 16
NW = NC * NS
BPW = B // NW
CH = 128
AR_PER_W = BPW * HIST
N_ACH = AR_PER_W // CH

_mesh = plsc.VectorSubcoreMesh(core_axis_name="c", subcore_axis_name="s")


@functools.partial(
    pl.kernel,
    mesh=_mesh,
    compiler_params=pltpu.CompilerParams(use_tc_tiling_on_sc=False),
    out_type=[
        jax.ShapeDtypeStruct((B, D_UID), jnp.float32),
        jax.ShapeDtypeStruct((B, D_SP), jnp.float32),
        jax.ShapeDtypeStruct((B, D_SP), jnp.float32),
        jax.ShapeDtypeStruct((B, D_SP), jnp.float32),
        jax.ShapeDtypeStruct((B, D_SP), jnp.float32),
        jax.ShapeDtypeStruct((B, D_AR), jnp.float32),
        jax.ShapeDtypeStruct((B, D_AR), jnp.float32),
    ],
    scratch_types=[
        pltpu.VMEM((CH,), jnp.int32),
        pltpu.VMEM((CH, D_UID), jnp.float32),
        pltpu.VMEM((CH, D_SP), jnp.float32),
        pltpu.VMEM((N_ACH, CH), jnp.int32),
        pltpu.VMEM_SHARED((NS * BPW, D_AR), jnp.float32),
    ],
)
def _sc_gather(seq, s0, s1, s2, s3, a0f, a1f, seg, zrows,
               tu, t0, t1, t2, t3, ta0, ta1,
               uid_o, sp0_o, sp1_o, sp2_o, sp3_o, p0_o, p1_o,
               idx_v, rows64_v, rows32_v, seg_v, pooled_sh):
    sid = lax.axis_index("s")
    wid = sid * NC + lax.axis_index("c")
    base = wid * BPW

    pltpu.sync_copy(seg.at[sid], seg_v)

    @pl.loop(0, BPW // CH)
    def _(c):
        off = base + c * CH
        pltpu.sync_copy(seq.at[pl.ds(off, CH)], idx_v)
        pltpu.sync_copy(tu.at[idx_v], rows64_v)
        pltpu.sync_copy(rows64_v, uid_o.at[pl.ds(off, CH)])

    for sidx, stab, so in ((s0, t0, sp0_o), (s1, t1, sp1_o),
                           (s2, t2, sp2_o), (s3, t3, sp3_o)):
        @pl.loop(0, BPW // CH)
        def _(c, sidx=sidx, stab=stab, so=so):
            off = base + c * CH
            pltpu.sync_copy(sidx.at[pl.ds(off, CH)], idx_v)
            pltpu.sync_copy(stab.at[idx_v], rows32_v)
            pltpu.sync_copy(rows32_v, so.at[pl.ds(off, CH)])

    for af, atab, po in ((a0f, ta0, p0_o), (a1f, ta1, p1_o)):
        pltpu.sync_copy(zrows, pooled_sh.at[pl.ds(sid * BPW, BPW)])

        @pl.loop(0, N_ACH)
        def _(c, af=af, atab=atab):
            off = base * HIST + c * CH
            pltpu.sync_copy(af.at[pl.ds(off, CH)], idx_v)
            pltpu.sync_copy(atab.at[idx_v], rows32_v)
            pltpu.sync_copy(rows32_v, pooled_sh.at[seg_v.at[c]], add=True)

        pltpu.sync_copy(pooled_sh.at[pl.ds(sid * BPW, BPW)],
                        po.at[pl.ds(base, BPW)])


ROWS = 512


def _mlp_body(uid, sp0, sp1, sp2, sp3, p0, p1, dn, w1, w1d, b1, w2, b2, out):
    acc = jnp.dot(uid[...], w1[0:64, :], preferred_element_type=jnp.float32)
    acc += jnp.dot(sp0[...], w1[64:96, :], preferred_element_type=jnp.float32)
    acc += jnp.dot(sp1[...], w1[96:128, :], preferred_element_type=jnp.float32)
    acc += jnp.dot(sp2[...], w1[128:160, :], preferred_element_type=jnp.float32)
    acc += jnp.dot(sp3[...], w1[160:192, :], preferred_element_type=jnp.float32)
    acc += jnp.dot(p0[...], w1[192:224, :], preferred_element_type=jnp.float32)
    acc += jnp.dot(p1[...], w1[224:256, :], preferred_element_type=jnp.float32)
    acc += jnp.dot(dn[...], w1d[...], preferred_element_type=jnp.float32)
    h = jnp.maximum(acc + b1[...], 0.0)
    out[...] = jnp.dot(h, w2[...], preferred_element_type=jnp.float32) + b2[...]


def _mlp(uid, sp0, sp1, sp2, sp3, p0, p1, dn, w1, w1d, b1, w2, b2):
    grid = (B // ROWS,)
    row_spec = lambda d: pl.BlockSpec((ROWS, d), lambda i: (i, 0))
    full_spec = lambda a, b: pl.BlockSpec((a, b), lambda i: (0, 0))
    return pl.pallas_call(
        _mlp_body,
        grid=grid,
        in_specs=[
            row_spec(D_UID),
            row_spec(D_SP), row_spec(D_SP), row_spec(D_SP), row_spec(D_SP),
            row_spec(D_AR), row_spec(D_AR),
            row_spec(8),
            full_spec(256, DNN_H),
            full_spec(8, DNN_H),
            full_spec(1, DNN_H),
            full_spec(DNN_H, DNN_OUT),
            full_spec(1, DNN_OUT),
        ],
        out_specs=pl.BlockSpec((ROWS, DNN_OUT), lambda i: (i, 0)),
        out_shape=jax.ShapeDtypeStruct((B, DNN_OUT), jnp.float32),
        compiler_params=pltpu.CompilerParams(
            dimension_semantics=("arbitrary",)),
    )(uid, sp0, sp1, sp2, sp3, p0, p1, dn, w1, w1d, b1, w2, b2)


def kernel(seq_id, sparse_0, sparse_1, sparse_2, sparse_3, array_0, array_1,
           dense_0, dense_1, dense_2, emb_user_id,
           emb_sparse_0, emb_sparse_1, emb_sparse_2, emb_sparse_3,
           emb_array_0, emb_array_1, W1, b1, W2, b2):
    a0f = array_0.reshape(-1)
    a1f = array_1.reshape(-1)
    seg_local = (jnp.arange(AR_PER_W, dtype=jnp.int32) // HIST).reshape(
        1, N_ACH, CH)
    seg = seg_local + (jnp.arange(NS, dtype=jnp.int32) * BPW)[:, None, None]
    zrows = jnp.zeros((BPW, D_AR), jnp.float32)
    uid_g, sp0_g, sp1_g, sp2_g, sp3_g, p0, p1 = _sc_gather(
        seq_id, sparse_0, sparse_1, sparse_2, sparse_3, a0f, a1f, seg, zrows,
        emb_user_id, emb_sparse_0, emb_sparse_1, emb_sparse_2, emb_sparse_3,
        emb_array_0, emb_array_1)
    dn = jnp.pad(jnp.stack([dense_0, dense_1, dense_2], axis=1),
                 ((0, 0), (0, 5)))
    w1main = W1[:256]
    w1d = jnp.pad(W1[256:], ((0, 5), (0, 0)))
    return _mlp(uid_g, sp0_g, sp1_g, sp2_g, sp3_g, p0, p1,
                dn, w1main, w1d, b1.reshape(1, -1), W2, b2.reshape(1, -1))

# --- scband reference (transcript-rebuilt; emitter-appended) ---
"""Pipeline reference for scband-user-tower-60266981097755 (READ-ONLY COPY).

The authoritative reference and input builder live on the scoring server;
editing this copy changes nothing except your own understanding.
"""

import jax, jax.numpy as jnp
import numpy as np

B = 16384
VOCAB_UID = 1000001
D_UID = 64
SPARSE_VOCAB = 100001
D_SP = 32
N_SPARSE = 4
ARRAY_VOCAB = 100001
D_AR = 32
N_ARRAY = 2
HIST = 50
N_DENSE = 3
DNN_IN = D_UID + N_SPARSE * D_SP + N_ARRAY * D_AR + N_DENSE  # 259
DNN_H = 256
DNN_OUT = 128


def setup_inputs(seed: int = 0):
    key = jax.random.key(seed)
    ks = jax.random.split(key, 24)
    inp = {}
    inp["seq_id"] = jax.random.randint(ks[0], (B,), 0, VOCAB_UID, dtype=jnp.int32)
    for i in range(N_SPARSE):
        inp[f"sparse_{i}"] = jax.random.randint(ks[1 + i], (B,), 0, SPARSE_VOCAB, dtype=jnp.int32)
    for i in range(N_ARRAY):
        inp[f"array_{i}"] = jax.random.randint(ks[5 + i], (B, HIST), 0, ARRAY_VOCAB, dtype=jnp.int32)
    for i in range(N_DENSE):
        inp[f"dense_{i}"] = jax.random.normal(ks[7 + i], (B,), dtype=jnp.float32)
    inp["emb_user_id"] = (jax.random.normal(ks[10], (VOCAB_UID, D_UID), dtype=jnp.float32) * 0.01).at[0].set(0.0)
    for i in range(N_SPARSE):
        inp[f"emb_sparse_{i}"] = (jax.random.normal(ks[11 + i], (SPARSE_VOCAB, D_SP), dtype=jnp.float32) * 0.01).at[0].set(0.0)
    for i in range(N_ARRAY):
        inp[f"emb_array_{i}"] = (jax.random.normal(ks[15 + i], (ARRAY_VOCAB, D_AR), dtype=jnp.float32) * 0.01).at[0].set(0.0)
    inp["W1"] = jax.random.normal(ks[17], (DNN_IN, DNN_H), dtype=jnp.float32) * 0.02
    inp["b1"] = jnp.zeros((DNN_H,), dtype=jnp.float32)
    inp["W2"] = jax.random.normal(ks[18], (DNN_H, DNN_OUT), dtype=jnp.float32) * 0.02
    inp["b2"] = jnp.zeros((DNN_OUT,), dtype=jnp.float32)
    return inp


def reference(seq_id, sparse_0, sparse_1, sparse_2, sparse_3,
              array_0, array_1,
              dense_0, dense_1, dense_2,
              emb_user_id,
              emb_sparse_0, emb_sparse_1, emb_sparse_2, emb_sparse_3,
              emb_array_0, emb_array_1,
              W1, b1, W2, b2):
    # id embedding lookup
    feat_emb_list = [jnp.take(emb_user_id, seq_id, axis=0)]
    # sparse feature lookups
    sparse_ids = [sparse_0, sparse_1, sparse_2, sparse_3]
    sparse_tabs = [emb_sparse_0, emb_sparse_1, emb_sparse_2, emb_sparse_3]
    for idx, tab in zip(sparse_ids, sparse_tabs):
        feat_emb_list.append(jnp.take(tab, idx, axis=0))
    # array feature lookups (sum-pool over history axis)
    array_ids = [array_0, array_1]
    array_tabs = [emb_array_0, emb_array_1]
    for idx, tab in zip(array_ids, array_tabs):
        emb = jnp.take(tab, idx, axis=0)  # [B, HIST, D_AR]
        feat_emb_list.append(emb.sum(-2))
    # dense features
    for d in [dense_0, dense_1, dense_2]:
        feat_emb_list.append(d[:, None])
    user_features = jnp.concatenate(feat_emb_list, axis=-1)  # [B, DNN_IN]
    h = jnp.maximum(user_features @ W1 + b1, 0.0)
    return h @ W2 + b2

if __name__ == "__main__":
    import jax
    _d = setup_inputs()
    print(jax.jit(kernel)(*tuple(_d.values())))

</pallas_src>

<mosaic_0001>
#map = affine_map<(d0, d1) -> (0)>
#map1 = affine_map<(d0, d1) -> (0, 0, 0)>
#map2 = affine_map<(d0, d1) -> (0, 0)>
module attributes {stable_mosaic.version = 14 : i64} {
  func.func @_sc_gather(%arg0: i32, %arg1: i32, %arg2: memref<16384xi32, #tpu.memory_space<hbm>>, %arg3: memref<16384xi32, #tpu.memory_space<hbm>>, %arg4: memref<16384xi32, #tpu.memory_space<hbm>>, %arg5: memref<16384xi32, #tpu.memory_space<hbm>>, %arg6: memref<16384xi32, #tpu.memory_space<hbm>>, %arg7: memref<819200xi32, #tpu.memory_space<hbm>>, %arg8: memref<819200xi32, #tpu.memory_space<hbm>>, %arg9: memref<16x200x128xi32, #tpu.memory_space<hbm>>, %arg10: memref<512x32xf32, #tpu.memory_space<hbm>>, %arg11: memref<1000001x64xf32, #tpu.memory_space<hbm>>, %arg12: memref<100001x32xf32, #tpu.memory_space<hbm>>, %arg13: memref<100001x32xf32, #tpu.memory_space<hbm>>, %arg14: memref<100001x32xf32, #tpu.memory_space<hbm>>, %arg15: memref<100001x32xf32, #tpu.memory_space<hbm>>, %arg16: memref<100001x32xf32, #tpu.memory_space<hbm>>, %arg17: memref<100001x32xf32, #tpu.memory_space<hbm>>, %arg18: memref<16384x64xf32, #tpu.memory_space<hbm>>, %arg19: memref<16384x32xf32, #tpu.memory_space<hbm>>, %arg20: memref<16384x32xf32, #tpu.memory_space<hbm>>, %arg21: memref<16384x32xf32, #tpu.memory_space<hbm>>, %arg22: memref<16384x32xf32, #tpu.memory_space<hbm>>, %arg23: memref<16384x32xf32, #tpu.memory_space<hbm>>, %arg24: memref<16384x32xf32, #tpu.memory_space<hbm>>, %arg25: memref<128xi32, #tpu.memory_space<vmem>>, %arg26: memref<128x64xf32, #tpu.memory_space<vmem>>, %arg27: memref<128x32xf32, #tpu.memory_space<vmem>>, %arg28: memref<200x128xi32, #tpu.memory_space<vmem>>, %arg29: memref<8192x32xf32, #tpu.memory_space<vmem_shared>>) attributes {dimension_semantics = [#tpu.dimension_semantics<core_parallel>, #tpu.dimension_semantics<subcore_parallel>], iteration_bounds = array<i64: 2, 16>, scalar_prefetch = 0 : i64, scratch_operands = 5 : i64, tpu.core_type = #tpu.core_type<sc_vector_subcore>, window_params = [{transform_indices = #map}, {transform_indices = #map}, {transform_indices = #map}, {transform_indices = #map}, {transform_indices = #map}, {transform_indices = #map}, {transform_indices = #map}, {transform_indices = #map1}, {transform_indices = #map2}, {transform_indices = #map2}, {transform_indices = #map2}, {transform_indices = #map2}, {transform_indices = #map2}, {transform_indices = #map2}, {transform_indices = #map2}, {transform_indices = #map2}, {transform_indices = #map2}, {transform_indices = #map2}, {transform_indices = #map2}, {transform_indices = #map2}, {transform_indices = #map2}, {transform_indices = #map2}, {transform_indices = #map2}]} {
    %mul3A = arith.constant 2 : i32
    %mul3A_0 = arith.muli %arg1, %mul3A : i32
    %add3A = arith.addi %mul3A_0, %arg0 : i32
    %mul3A_1 = arith.constant 512 : i32
    %mul3A_2 = arith.muli %add3A, %mul3A_1 : i32
    "tpu.region"() ({
      %run_scoped3A = tpu.sem_alloc : memref<!tpu.dma_semaphore, #tpu.memory_space<semaphore_mem>>
      %dma_start3A = arith.constant 0 : i32
      %dma_start3A_45 = arith.constant 0 : i32
      %dma_start3A_46 = tpu.memref_slice %arg9[%arg1, %dma_start3A, %dma_start3A_45] : memref<16x200x128xi32, #tpu.memory_space<hbm>> -> memref<1x200x128xi32, #tpu.memory_space<hbm>>
      %dma_start3A_47 = tpu.memref_squeeze %dma_start3A_46 : memref<1x200x128xi32, #tpu.memory_space<hbm>> -> memref<200x128xi32, #tpu.memory_space<hbm>>
      %dma_start3A_48 = arith.constant 0 : i32
      %dma_start3A_49 = arith.constant 0 : i32
      %dma_start3A_50 = tpu.memref_slice %arg9[%arg1, %dma_start3A_48, %dma_start3A_49] : memref<16x200x128xi32, #tpu.memory_space<hbm>> -> memref<1x200x128xi32, #tpu.memory_space<hbm>>
      %dma_start3A_51 = tpu.memref_squeeze %dma_start3A_50 : memref<1x200x128xi32, #tpu.memory_space<hbm>> -> memref<200x128xi32, #tpu.memory_space<hbm>>
      tpu.enqueue_dma source(%dma_start3A_51 : memref<200x128xi32, #tpu.memory_space<hbm>>) target(%arg28 : memref<200x128xi32, #tpu.memory_space<vmem>>) target_semaphore(%run_scoped3A : memref<!tpu.dma_semaphore, #tpu.memory_space<semaphore_mem>>)
      %dma_wait3A = arith.constant 0 : i32
      %dma_wait3A_52 = arith.constant 0 : i32
      %dma_wait3A_53 = tpu.memref_slice %arg9[%arg1, %dma_wait3A, %dma_wait3A_52] : memref<16x200x128xi32, #tpu.memory_space<hbm>> -> memref<1x200x128xi32, #tpu.memory_space<hbm>>
      %dma_wait3A_54 = tpu.memref_squeeze %dma_wait3A_53 : memref<1x200x128xi32, #tpu.memory_space<hbm>> -> memref<200x128xi32, #tpu.memory_space<hbm>>
      %dma_wait3A_55 = arith.constant 0 : i32
      %dma_wait3A_56 = arith.constant 0 : i32
      %dma_wait3A_57 = tpu.memref_slice %arg9[%arg1, %dma_wait3A_55, %dma_wait3A_56] : memref<16x200x128xi32, #tpu.memory_space<hbm>> -> memref<1x200x128xi32, #tpu.memory_space<hbm>>
      %dma_wait3A_58 = tpu.memref_squeeze %dma_wait3A_57 : memref<1x200x128xi32, #tpu.memory_space<hbm>> -> memref<200x128xi32, #tpu.memory_space<hbm>>
      tpu.wait_dma2 semaphore(%run_scoped3A : memref<!tpu.dma_semaphore, #tpu.memory_space<semaphore_mem>>) src(%dma_wait3A_58 : memref<200x128xi32, #tpu.memory_space<hbm>>) dst(%arg28 : memref<200x128xi32, #tpu.memory_space<vmem>>)
      tpu.yield
    }) : () -> ()
    %scan3A = arith.constant 0 : i32
    %scan3A_3 = arith.constant 4 : i32
    %scan3A_4 = arith.addi %scan3A, %scan3A_3 : i32
    %scan3A_5 = arith.constant 1 : i32
    scf.for %scan3A_45 = %scan3A to %scan3A_4 step %scan3A_5  : i32 {
      %mul3A_46 = arith.constant 1 : i32
      %mul3A_47 = arith.muli %scan3A_45, %mul3A_46 : i32
      %add3A_48 = arith.constant 0 : i32
      %add3A_49 = arith.addi %add3A_48, %mul3A_47 : i32
      %mul3A_50 = arith.constant 128 : i32
      %mul3A_51 = arith.muli %add3A_49, %mul3A_50 : i32
      %add3A_52 = arith.addi %mul3A_2, %mul3A_51 : i32
      "tpu.region"() ({
        %run_scoped3A = tpu.sem_alloc : memref<!tpu.dma_semaphore, #tpu.memory_space<semaphore_mem>>
        %dma_start3A = tpu.memref_slice %arg2[%add3A_52] : memref<16384xi32, #tpu.memory_space<hbm>> -> memref<128xi32, #tpu.memory_space<hbm>>
        %dma_start3A_53 = tpu.memref_slice %arg2[%add3A_52] : memref<16384xi32, #tpu.memory_space<hbm>> -> memref<128xi32, #tpu.memory_space<hbm>>
        tpu.enqueue_dma source(%dma_start3A_53 : memref<128xi32, #tpu.memory_space<hbm>>) target(%arg25 : memref<128xi32, #tpu.memory_space<vmem>>) target_semaphore(%run_scoped3A : memref<!tpu.dma_semaphore, #tpu.memory_space<semaphore_mem>>)
        %dma_wait3A = tpu.memref_slice %arg2[%add3A_52] : memref<16384xi32, #tpu.memory_space<hbm>> -> memref<128xi32, #tpu.memory_space<hbm>>
        %dma_wait3A_54 = tpu.memref_slice %arg2[%add3A_52] : memref<16384xi32, #tpu.memory_space<hbm>> -> memref<128xi32, #tpu.memory_space<hbm>>
        tpu.wait_dma2 semaphore(%run_scoped3A : memref<!tpu.dma_semaphore, #tpu.memory_space<semaphore_mem>>) src(%dma_wait3A_54 : memref<128xi32, #tpu.memory_space<hbm>>) dst(%arg25 : memref<128xi32, #tpu.memory_space<vmem>>)
        tpu.yield
      }) : () -> ()
      "tpu.region"() ({
        %run_scoped3A = tpu.sem_alloc : memref<!tpu.dma_semaphore, #tpu.memory_space<semaphore_mem>>
        %dma_start3A = arith.constant 0 : i32
        %dma_start3A_53 = arith.constant 0 : i32
        %dma_start3A_54 = tpu.memref_slice %arg11[%dma_start3A, %dma_start3A_53] : memref<1000001x64xf32, #tpu.memory_space<hbm>> -> memref<1000001x64xf32, #tpu.memory_space<hbm>>
        tpu.enqueue_indirect_dma source(%dma_start3A_54 : memref<1000001x64xf32, #tpu.memory_space<hbm>>) target(%arg26 : memref<128x64xf32, #tpu.memory_space<vmem>>) offsets(%arg25 : memref<128xi32, #tpu.memory_space<vmem>>) semaphore(%run_scoped3A : memref<!tpu.dma_semaphore, #tpu.memory_space<semaphore_mem>>)
        %dma_wait3A = arith.constant 0 : i32
        %dma_wait3A_55 = arith.constant 0 : i32
        %dma_wait3A_56 = tpu.memref_slice %arg11[%dma_wait3A, %dma_wait3A_55] : memref<1000001x64xf32, #tpu.memory_space<hbm>> -> memref<1000001x64xf32, #tpu.memory_space<hbm>>
        tpu.wait_indirect_dma semaphore(%run_scoped3A : memref<!tpu.dma_semaphore, #tpu.memory_space<semaphore_mem>>) src(%dma_wait3A_56 : memref<1000001x64xf32, #tpu.memory_space<hbm>>) dst(%arg26 : memref<128x64xf32, #tpu.memory_space<vmem>>)
        tpu.yield
      }) : () -> ()
      "tpu.region"() ({
        %run_scoped3A = tpu.sem_alloc : memref<!tpu.dma_semaphore, #tpu.memory_space<semaphore_mem>>
        %dma_start3A = arith.constant 0 : i32
        %dma_start3A_53 = tpu.memref_slice %arg18[%add3A_52, %dma_start3A] : memref<16384x64xf32, #tpu.memory_space<hbm>> -> memref<128x64xf32, #tpu.memory_space<hbm>>
        %dma_start3A_54 = arith.constant 0 : i32
        %dma_start3A_55 = tpu.memref_slice %arg18[%add3A_52, %dma_start3A_54] : memref<16384x64xf32, #tpu.memory_space<hbm>> -> memref<128x64xf32, #tpu.memory_space<hbm>>
        tpu.enqueue_dma source(%arg26 : memref<128x64xf32, #tpu.memory_space<vmem>>) target(%dma_start3A_55 : memref<128x64xf32, #tpu.memory_space<hbm>>) target_semaphore(%run_scoped3A : memref<!tpu.dma_semaphore, #tpu.memory_space<semaphore_mem>>)
        %dma_wait3A = arith.constant 0 : i32
        %dma_wait3A_56 = tpu.memref_slice %arg18[%add3A_52, %dma_wait3A] : memref<16384x64xf32, #tpu.memory_space<hbm>> -> memref<128x64xf32, #tpu.memory_space<hbm>>
        %dma_wait3A_57 = arith.constant 0 : i32
        %dma_wait3A_58 = tpu.memref_slice %arg18[%add3A_52, %dma_wait3A_57] : memref<16384x64xf32, #tpu.memory_space<hbm>> -> memref<128x64xf32, #tpu.memory_space<hbm>>
        tpu.wait_dma2 semaphore(%run_scoped3A : memref<!tpu.dma_semaphore, #tpu.memory_space<semaphore_mem>>) src(%arg26 : memref<128x64xf32, #tpu.memory_space<vmem>>) dst(%dma_wait3A_58 : memref<128x64xf32, #tpu.memory_space<hbm>>)
        tpu.yield
      }) : () -> ()
    }
    %scan3A_6 = arith.constant 4 : i32
    %scan3A_7 = arith.constant 0 : i32
    %scan3A_8 = arith.constant 4 : i32
    %scan3A_9 = arith.addi %scan3A_7, %scan3A_8 : i32
    %scan3A_10 = arith.constant 1 : i32
    scf.for %scan3A_45 = %scan3A_7 to %scan3A_9 step %scan3A_10  : i32 {
      %mul3A_46 = arith.constant 1 : i32
      %mul3A_47 = arith.muli %scan3A_45, %mul3A_46 : i32
      %add3A_48 = arith.constant 0 : i32
      %add3A_49 = arith.addi %add3A_48, %mul3A_47 : i32
      %mul3A_50 = arith.constant 128 : i32
      %mul3A_51 = arith.muli %add3A_49, %mul3A_50 : i32
      %add3A_52 = arith.addi %mul3A_2, %mul3A_51 : i32
      "tpu.region"() ({
        %run_scoped3A = tpu.sem_alloc : memref<!tpu.dma_semaphore, #tpu.memory_space<semaphore_mem>>
        %dma_start3A = tpu.memref_slice %arg3[%add3A_52] : memref<16384xi32, #tpu.memory_space<hbm>> -> memref<128xi32, #tpu.memory_space<hbm>>
        %dma_start3A_53 = tpu.memref_slice %arg3[%add3A_52] : memref<16384xi32, #tpu.memory_space<hbm>> -> memref<128xi32, #tpu.memory_space<hbm>>
        tpu.enqueue_dma source(%dma_start3A_53 : memref<128xi32, #tpu.memory_space<hbm>>) target(%arg25 : memref<128xi32, #tpu.memory_space<vmem>>) target_semaphore(%run_scoped3A : memref<!tpu.dma_semaphore, #tpu.memory_space<semaphore_mem>>)
        %dma_wait3A = tpu.memref_slice %arg3[%add3A_52] : memref<16384xi32, #tpu.memory_space<hbm>> -> memref<128xi32, #tpu.memory_space<hbm>>
        %dma_wait3A_54 = tpu.memref_slice %arg3[%add3A_52] : memref<16384xi32, #tpu.memory_space<hbm>> -> memref<128xi32, #tpu.memory_space<hbm>>
        tpu.wait_dma2 semaphore(%run_scoped3A : memref<!tpu.dma_semaphore, #tpu.memory_space<semaphore_mem>>) src(%dma_wait3A_54 : memref<128xi32, #tpu.memory_space<hbm>>) dst(%arg25 : memref<128xi32, #tpu.memory_space<vmem>>)
        tpu.yield
      }) : () -> ()
      "tpu.region"() ({
        %run_scoped3A = tpu.sem_alloc : memref<!tpu.dma_semaphore, #tpu.memory_space<semaphore_mem>>
        %dma_start3A = arith.constant 0 : i32
        %dma_start3A_53 = arith.constant 0 : i32
        %dma_start3A_54 = tpu.memref_slice %arg12[%dma_start3A, %dma_start3A_53] : memref<100001x32xf32, #tpu.memory_space<hbm>> -> memref<100001x32xf32, #tpu.memory_space<hbm>>
        tpu.enqueue_indirect_dma source(%dma_start3A_54 : memref<100001x32xf32, #tpu.memory_space<hbm>>) target(%arg27 : memref<128x32xf32, #tpu.memory_space<vmem>>) offsets(%arg25 : memref<128xi32, #tpu.memory_space<vmem>>) semaphore(%run_scoped3A : memref<!tpu.dma_semaphore, #tpu.memory_space<semaphore_mem>>)
        %dma_wait3A = arith.constant 0 : i32
        %dma_wait3A_55 = arith.constant 0 : i32
        %dma_wait3A_56 = tpu.memref_slice %arg12[%dma_wait3A, %dma_wait3A_55] : memref<100001x32xf32, #tpu.memory_space<hbm>> -> memref<100001x32xf32, #tpu.memory_space<hbm>>
        tpu.wait_indirect_dma semaphore(%run_scoped3A : memref<!tpu.dma_semaphore, #tpu.memory_space<semaphore_mem>>) src(%dma_wait3A_56 : memref<100001x32xf32, #tpu.memory_space<hbm>>) dst(%arg27 : memref<128x32xf32, #tpu.memory_space<vmem>>)
        tpu.yield
      }) : () -> ()
      "tpu.region"() ({
        %run_scoped3A = tpu.sem_alloc : memref<!tpu.dma_semaphore, #tpu.memory_space<semaphore_mem>>
        %dma_start3A = arith.constant 0 : i32
        %dma_start3A_53 = tpu.memref_slice %arg19[%add3A_52, %dma_start3A] : memref<16384x32xf32, #tpu.memory_space<hbm>> -> memref<128x32xf32, #tpu.memory_space<hbm>>
        %dma_start3A_54 = arith.constant 0 : i32
        %dma_start3A_55 = tpu.memref_slice %arg19[%add3A_52, %dma_start3A_54] : memref<16384x32xf32, #tpu.memory_space<hbm>> -> memref<128x32xf32, #tpu.memory_space<hbm>>
        tpu.enqueue_dma source(%arg27 : memref<128x32xf32, #tpu.memory_space<vmem>>) target(%dma_start3A_55 : memref<128x32xf32, #tpu.memory_space<hbm>>) target_semaphore(%run_scoped3A : memref<!tpu.dma_semaphore, #tpu.memory_space<semaphore_mem>>)
        %dma_wait3A = arith.constant 0 : i32
        %dma_wait3A_56 = tpu.memref_slice %arg19[%add3A_52, %dma_wait3A] : memref<16384x32xf32, #tpu.memory_space<hbm>> -> memref<128x32xf32, #tpu.memory_space<hbm>>
        %dma_wait3A_57 = arith.constant 0 : i32
        %dma_wait3A_58 = tpu.memref_slice %arg19[%add3A_52, %dma_wait3A_57] : memref<16384x32xf32, #tpu.memory_space<hbm>> -> memref<128x32xf32, #tpu.memory_space<hbm>>
        tpu.wait_dma2 semaphore(%run_scoped3A : memref<!tpu.dma_semaphore, #tpu.memory_space<semaphore_mem>>) src(%arg27 : memref<128x32xf32, #tpu.memory_space<vmem>>) dst(%dma_wait3A_58 : memref<128x32xf32, #tpu.memory_space<hbm>>)
        tpu.yield
      }) : () -> ()
    }
    %scan3A_11 = arith.constant 4 : i32
    %scan3A_12 = arith.constant 0 : i32
    %scan3A_13 = arith.constant 4 : i32
    %scan3A_14 = arith.addi %scan3A_12, %scan3A_13 : i32
    %scan3A_15 = arith.constant 1 : i32
    scf.for %scan3A_45 = %scan3A_12 to %scan3A_14 step %scan3A_15  : i32 {
      %mul3A_46 = arith.constant 1 : i32
      %mul3A_47 = arith.muli %scan3A_45, %mul3A_46 : i32
      %add3A_48 = arith.constant 0 : i32
      %add3A_49 = arith.addi %add3A_48, %mul3A_47 : i32
      %mul3A_50 = arith.constant 128 : i32
      %mul3A_51 = arith.muli %add3A_49, %mul3A_50 : i32
      %add3A_52 = arith.addi %mul3A_2, %mul3A_51 : i32
      "tpu.region"() ({
        %run_scoped3A = tpu.sem_alloc : memref<!tpu.dma_semaphore, #tpu.memory_space<semaphore_mem>>
        %dma_start3A = tpu.memref_slice %arg4[%add3A_52] : memref<16384xi32, #tpu.memory_space<hbm>> -> memref<128xi32, #tpu.memory_space<hbm>>
        %dma_start3A_53 = tpu.memref_slice %arg4[%add3A_52] : memref<16384xi32, #tpu.memory_space<hbm>> -> memref<128xi32, #tpu.memory_space<hbm>>
        tpu.enqueue_dma source(%dma_start3A_53 : memref<128xi32, #tpu.memory_space<hbm>>) target(%arg25 : memref<128xi32, #tpu.memory_space<vmem>>) target_semaphore(%run_scoped3A : memref<!tpu.dma_semaphore, #tpu.memory_space<semaphore_mem>>)
        %dma_wait3A = tpu.memref_slice %arg4[%add3A_52] : memref<16384xi32, #tpu.memory_space<hbm>> -> memref<128xi32, #tpu.memory_space<hbm>>
        %dma_wait3A_54 = tpu.memref_slice %arg4[%add3A_52] : memref<16384xi32, #tpu.memory_space<hbm>> -> memref<128xi32, #tpu.memory_space<hbm>>
        tpu.wait_dma2 semaphore(%run_scoped3A : memref<!tpu.dma_semaphore, #tpu.memory_space<semaphore_mem>>) src(%dma_wait3A_54 : memref<128xi32, #tpu.memory_space<hbm>>) dst(%arg25 : memref<128xi32, #tpu.memory_space<vmem>>)
        tpu.yield
      }) : () -> ()
      "tpu.region"() ({
        %run_scoped3A = tpu.sem_alloc : memref<!tpu.dma_semaphore, #tpu.memory_space<semaphore_mem>>
        %dma_start3A = arith.constant 0 : i32
        %dma_start3A_53 = arith.constant 0 : i32
        %dma_start3A_54 = tpu.memref_slice %arg13[%dma_start3A, %dma_start3A_53] : memref<100001x32xf32, #tpu.memory_space<hbm>> -> memref<100001x32xf32, #tpu.memory_space<hbm>>
        tpu.enqueue_indirect_dma source(%dma_start3A_54 : memref<100001x32xf32, #tpu.memory_space<hbm>>) target(%arg27 : memref<128x32xf32, #tpu.memory_space<vmem>>) offsets(%arg25 : memref<128xi32, #tpu.memory_space<vmem>>) semaphore(%run_scoped3A : memref<!tpu.dma_semaphore, #tpu.memory_space<semaphore_mem>>)
        %dma_wait3A = arith.constant 0 : i32
        %dma_wait3A_55 = arith.constant 0 : i32
        %dma_wait3A_56 = tpu.memref_slice %arg13[%dma_wait3A, %dma_wait3A_55] : memref<100001x32xf32, #tpu.memory_space<hbm>> -> memref<100001x32xf32, #tpu.memory_space<hbm>>
        tpu.wait_indirect_dma semaphore(%run_scoped3A : memref<!tpu.dma_semaphore, #tpu.memory_space<semaphore_mem>>) src(%dma_wait3A_56 : memref<100001x32xf32, #tpu.memory_space<hbm>>) dst(%arg27 : memref<128x32xf32, #tpu.memory_space<vmem>>)
        tpu.yield
      }) : () -> ()
      "tpu.region"() ({
        %run_scoped3A = tpu.sem_alloc : memref<!tpu.dma_semaphore, #tpu.memory_space<semaphore_mem>>
        %dma_start3A = arith.constant 0 : i32
        %dma_start3A_53 = tpu.memref_slice %arg20[%add3A_52, %dma_start3A] : memref<16384x32xf32, #tpu.memory_space<hbm>> -> memref<128x32xf32, #tpu.memory_space<hbm>>
        %dma_start3A_54 = arith.constant 0 : i32
        %dma_start3A_55 = tpu.memref_slice %arg20[%add3A_52, %dma_start3A_54] : memref<16384x32xf32, #tpu.memory_space<hbm>> -> memref<128x32xf32, #tpu.memory_space<hbm>>
        tpu.enqueue_dma source(%arg27 : memref<128x32xf32, #tpu.memory_space<vmem>>) target(%dma_start3A_55 : memref<128x32xf32, #tpu.memory_space<hbm>>) target_semaphore(%run_scoped3A : memref<!tpu.dma_semaphore, #tpu.memory_space<semaphore_mem>>)
        %dma_wait3A = arith.constant 0 : i32
        %dma_wait3A_56 = tpu.memref_slice %arg20[%add3A_52, %dma_wait3A] : memref<16384x32xf32, #tpu.memory_space<hbm>> -> memref<128x32xf32, #tpu.memory_space<hbm>>
        %dma_wait3A_57 = arith.constant 0 : i32
        %dma_wait3A_58 = tpu.memref_slice %arg20[%add3A_52, %dma_wait3A_57] : memref<16384x32xf32, #tpu.memory_space<hbm>> -> memref<128x32xf32, #tpu.memory_space<hbm>>
        tpu.wait_dma2 semaphore(%run_scoped3A : memref<!tpu.dma_semaphore, #tpu.memory_space<semaphore_mem>>) src(%arg27 : memref<128x32xf32, #tpu.memory_space<vmem>>) dst(%dma_wait3A_58 : memref<128x32xf32, #tpu.memory_space<hbm>>)
        tpu.yield
      }) : () -> ()
    }
    %scan3A_16 = arith.constant 4 : i32
    %scan3A_17 = arith.constant 0 : i32
    %scan3A_18 = arith.constant 4 : i32
    %scan3A_19 = arith.addi %scan3A_17, %scan3A_18 : i32
    %scan3A_20 = arith.constant 1 : i32
    scf.for %scan3A_45 = %scan3A_17 to %scan3A_19 step %scan3A_20  : i32 {
      %mul3A_46 = arith.constant 1 : i32
      %mul3A_47 = arith.muli %scan3A_45, %mul3A_46 : i32
      %add3A_48 = arith.constant 0 : i32
      %add3A_49 = arith.addi %add3A_48, %mul3A_47 : i32
      %mul3A_50 = arith.constant 128 : i32
      %mul3A_51 = arith.muli %add3A_49, %mul3A_50 : i32
      %add3A_52 = arith.addi %mul3A_2, %mul3A_51 : i32
      "tpu.region"() ({
        %run_scoped3A = tpu.sem_alloc : memref<!tpu.dma_semaphore, #tpu.memory_space<semaphore_mem>>
        %dma_start3A = tpu.memref_slice %arg5[%add3A_52] : memref<16384xi32, #tpu.memory_space<hbm>> -> memref<128xi32, #tpu.memory_space<hbm>>
        %dma_start3A_53 = tpu.memref_slice %arg5[%add3A_52] : memref<16384xi32, #tpu.memory_space<hbm>> -> memref<128xi32, #tpu.memory_space<hbm>>
        tpu.enqueue_dma source(%dma_start3A_53 : memref<128xi32, #tpu.memory_space<hbm>>) target(%arg25 : memref<128xi32, #tpu.memory_space<vmem>>) target_semaphore(%run_scoped3A : memref<!tpu.dma_semaphore, #tpu.memory_space<semaphore_mem>>)
        %dma_wait3A = tpu.memref_slice %arg5[%add3A_52] : memref<16384xi32, #tpu.memory_space<hbm>> -> memref<128xi32, #tpu.memory_space<hbm>>
        %dma_wait3A_54 = tpu.memref_slice %arg5[%add3A_52] : memref<16384xi32, #tpu.memory_space<hbm>> -> memref<128xi32, #tpu.memory_space<hbm>>
        tpu.wait_dma2 semaphore(%run_scoped3A : memref<!tpu.dma_semaphore, #tpu.memory_space<semaphore_mem>>) src(%dma_wait3A_54 : memref<128xi32, #tpu.memory_space<hbm>>) dst(%arg25 : memref<128xi32, #tpu.memory_space<vmem>>)
        tpu.yield
      }) : () -> ()
      "tpu.region"() ({
        %run_scoped3A = tpu.sem_alloc : memref<!tpu.dma_semaphore, #tpu.memory_space<semaphore_mem>>
        %dma_start3A = arith.constant 0 : i32
        %dma_start3A_53 = arith.constant 0 : i32
        %dma_start3A_54 = tpu.memref_slice %arg14[%dma_start3A, %dma_start3A_53] : memref<100001x32xf32, #tpu.memory_space<hbm>> -> memref<100001x32xf32, #tpu.memory_space<hbm>>
        tpu.enqueue_indirect_dma source(%dma_start3A_54 : memref<100001x32xf32, #tpu.memory_space<hbm>>) target(%arg27 : memref<128x32xf32, #tpu.memory_space<vmem>>) offsets(%arg25 : memref<128xi32, #tpu.memory_space<vmem>>) semaphore(%run_scoped3A : memref<!tpu.dma_semaphore, #tpu.memory_space<semaphore_mem>>)
        %dma_wait3A = arith.constant 0 : i32
        %dma_wait3A_55 = arith.constant 0 : i32
        %dma_wait3A_56 = tpu.memref_slice %arg14[%dma_wait3A, %dma_wait3A_55] : memref<100001x32xf32, #tpu.memory_space<hbm>> -> memref<100001x32xf32, #tpu.memory_space<hbm>>
        tpu.wait_indirect_dma semaphore(%run_scoped3A : memref<!tpu.dma_semaphore, #tpu.memory_space<semaphore_mem>>) src(%dma_wait3A_56 : memref<100001x32xf32, #tpu.memory_space<hbm>>) dst(%arg27 : memref<128x32xf32, #tpu.memory_space<vmem>>)
        tpu.yield
      }) : () -> ()
      "tpu.region"() ({
        %run_scoped3A = tpu.sem_alloc : memref<!tpu.dma_semaphore, #tpu.memory_space<semaphore_mem>>
        %dma_start3A = arith.constant 0 : i32
        %dma_start3A_53 = tpu.memref_slice %arg21[%add3A_52, %dma_start3A] : memref<16384x32xf32, #tpu.memory_space<hbm>> -> memref<128x32xf32, #tpu.memory_space<hbm>>
        %dma_start3A_54 = arith.constant 0 : i32
        %dma_start3A_55 = tpu.memref_slice %arg21[%add3A_52, %dma_start3A_54] : memref<16384x32xf32, #tpu.memory_space<hbm>> -> memref<128x32xf32, #tpu.memory_space<hbm>>
        tpu.enqueue_dma source(%arg27 : memref<128x32xf32, #tpu.memory_space<vmem>>) target(%dma_start3A_55 : memref<128x32xf32, #tpu.memory_space<hbm>>) target_semaphore(%run_scoped3A : memref<!tpu.dma_semaphore, #tpu.memory_space<semaphore_mem>>)
        %dma_wait3A = arith.constant 0 : i32
        %dma_wait3A_56 = tpu.memref_slice %arg21[%add3A_52, %dma_wait3A] : memref<16384x32xf32, #tpu.memory_space<hbm>> -> memref<128x32xf32, #tpu.memory_space<hbm>>
        %dma_wait3A_57 = arith.constant 0 : i32
        %dma_wait3A_58 = tpu.memref_slice %arg21[%add3A_52, %dma_wait3A_57] : memref<16384x32xf32, #tpu.memory_space<hbm>> -> memref<128x32xf32, #tpu.memory_space<hbm>>
        tpu.wait_dma2 semaphore(%run_scoped3A : memref<!tpu.dma_semaphore, #tpu.memory_space<semaphore_mem>>) src(%arg27 : memref<128x32xf32, #tpu.memory_space<vmem>>) dst(%dma_wait3A_58 : memref<128x32xf32, #tpu.memory_space<hbm>>)
        tpu.yield
      }) : () -> ()
    }
    %scan3A_21 = arith.constant 4 : i32
    %scan3A_22 = arith.constant 0 : i32
    %scan3A_23 = arith.constant 4 : i32
    %scan3A_24 = arith.addi %scan3A_22, %scan3A_23 : i32
    %scan3A_25 = arith.constant 1 : i32
    scf.for %scan3A_45 = %scan3A_22 to %scan3A_24 step %scan3A_25  : i32 {
      %mul3A_46 = arith.constant 1 : i32
      %mul3A_47 = arith.muli %scan3A_45, %mul3A_46 : i32
      %add3A_48 = arith.constant 0 : i32
      %add3A_49 = arith.addi %add3A_48, %mul3A_47 : i32
      %mul3A_50 = arith.constant 128 : i32
      %mul3A_51 = arith.muli %add3A_49, %mul3A_50 : i32
      %add3A_52 = arith.addi %mul3A_2, %mul3A_51 : i32
      "tpu.region"() ({
        %run_scoped3A = tpu.sem_alloc : memref<!tpu.dma_semaphore, #tpu.memory_space<semaphore_mem>>
        %dma_start3A = tpu.memref_slice %arg6[%add3A_52] : memref<16384xi32, #tpu.memory_space<hbm>> -> memref<128xi32, #tpu.memory_space<hbm>>
        %dma_start3A_53 = tpu.memref_slice %arg6[%add3A_52] : memref<16384xi32, #tpu.memory_space<hbm>> -> memref<128xi32, #tpu.memory_space<hbm>>
        tpu.enqueue_dma source(%dma_start3A_53 : memref<128xi32, #tpu.memory_space<hbm>>) target(%arg25 : memref<128xi32, #tpu.memory_space<vmem>>) target_semaphore(%run_scoped3A : memref<!tpu.dma_semaphore, #tpu.memory_space<semaphore_mem>>)
        %dma_wait3A = tpu.memref_slice %arg6[%add3A_52] : memref<16384xi32, #tpu.memory_space<hbm>> -> memref<128xi32, #tpu.memory_space<hbm>>
        %dma_wait3A_54 = tpu.memref_slice %arg6[%add3A_52] : memref<16384xi32, #tpu.memory_space<hbm>> -> memref<128xi32, #tpu.memory_space<hbm>>
        tpu.wait_dma2 semaphore(%run_scoped3A : memref<!tpu.dma_semaphore, #tpu.memory_space<semaphore_mem>>) src(%dma_wait3A_54 : memref<128xi32, #tpu.memory_space<hbm>>) dst(%arg25 : memref<128xi32, #tpu.memory_space<vmem>>)
        tpu.yield
      }) : () -> ()
      "tpu.region"() ({
        %run_scoped3A = tpu.sem_alloc : memref<!tpu.dma_semaphore, #tpu.memory_space<semaphore_mem>>
        %dma_start3A = arith.constant 0 : i32
        %dma_start3A_53 = arith.constant 0 : i32
        %dma_start3A_54 = tpu.memref_slice %arg15[%dma_start3A, %dma_start3A_53] : memref<100001x32xf32, #tpu.memory_space<hbm>> -> memref<100001x32xf32, #tpu.memory_space<hbm>>
        tpu.enqueue_indirect_dma source(%dma_start3A_54 : memref<100001x32xf32, #tpu.memory_space<hbm>>) target(%arg27 : memref<128x32xf32, #tpu.memory_space<vmem>>) offsets(%arg25 : memref<128xi32, #tpu.memory_space<vmem>>) semaphore(%run_scoped3A : memref<!tpu.dma_semaphore, #tpu.memory_space<semaphore_mem>>)
        %dma_wait3A = arith.constant 0 : i32
        %dma_wait3A_55 = arith.constant 0 : i32
        %dma_wait3A_56 = tpu.memref_slice %arg15[%dma_wait3A, %dma_wait3A_55] : memref<100001x32xf32, #tpu.memory_space<hbm>> -> memref<100001x32xf32, #tpu.memory_space<hbm>>
        tpu.wait_indirect_dma semaphore(%run_scoped3A : memref<!tpu.dma_semaphore, #tpu.memory_space<semaphore_mem>>) src(%dma_wait3A_56 : memref<100001x32xf32, #tpu.memory_space<hbm>>) dst(%arg27 : memref<128x32xf32, #tpu.memory_space<vmem>>)
        tpu.yield
      }) : () -> ()
      "tpu.region"() ({
        %run_scoped3A = tpu.sem_alloc : memref<!tpu.dma_semaphore, #tpu.memory_space<semaphore_mem>>
        %dma_start3A = arith.constant 0 : i32
        %dma_start3A_53 = tpu.memref_slice %arg22[%add3A_52, %dma_start3A] : memref<16384x32xf32, #tpu.memory_space<hbm>> -> memref<128x32xf32, #tpu.memory_space<hbm>>
        %dma_start3A_54 = arith.constant 0 : i32
        %dma_start3A_55 = tpu.memref_slice %arg22[%add3A_52, %dma_start3A_54] : memref<16384x32xf32, #tpu.memory_space<hbm>> -> memref<128x32xf32, #tpu.memory_space<hbm>>
        tpu.enqueue_dma source(%arg27 : memref<128x32xf32, #tpu.memory_space<vmem>>) target(%dma_start3A_55 : memref<128x32xf32, #tpu.memory_space<hbm>>) target_semaphore(%run_scoped3A : memref<!tpu.dma_semaphore, #tpu.memory_space<semaphore_mem>>)
        %dma_wait3A = arith.constant 0 : i32
        %dma_wait3A_56 = tpu.memref_slice %arg22[%add3A_52, %dma_wait3A] : memref<16384x32xf32, #tpu.memory_space<hbm>> -> memref<128x32xf32, #tpu.memory_space<hbm>>
        %dma_wait3A_57 = arith.constant 0 : i32
        %dma_wait3A_58 = tpu.memref_slice %arg22[%add3A_52, %dma_wait3A_57] : memref<16384x32xf32, #tpu.memory_space<hbm>> -> memref<128x32xf32, #tpu.memory_space<hbm>>
        tpu.wait_dma2 semaphore(%run_scoped3A : memref<!tpu.dma_semaphore, #tpu.memory_space<semaphore_mem>>) src(%arg27 : memref<128x32xf32, #tpu.memory_space<vmem>>) dst(%dma_wait3A_58 : memref<128x32xf32, #tpu.memory_space<hbm>>)
        tpu.yield
      }) : () -> ()
    }
    %scan3A_26 = arith.constant 4 : i32
    %mul3A_27 = arith.constant 512 : i32
    %mul3A_28 = arith.muli %arg1, %mul3A_27 : i32
    "tpu.region"() ({
      %run_scoped3A = tpu.sem_alloc : memref<!tpu.dma_semaphore, #tpu.memory_space<semaphore_mem>>
      %dma_start3A = arith.constant 0 : i32
      %dma_start3A_45 = tpu.memref_slice %arg29[%mul3A_28, %dma_start3A] : memref<8192x32xf32, #tpu.memory_space<vmem_shared>> -> memref<512x32xf32, #tpu.memory_space<vmem_shared>>
      tpu.enqueue_dma source(%arg10 : memref<512x32xf32, #tpu.memory_space<hbm>>) target(%dma_start3A_45 : memref<512x32xf32, #tpu.memory_space<vmem_shared>>) target_semaphore(%run_scoped3A : memref<!tpu.dma_semaphore, #tpu.memory_space<semaphore_mem>>)
      %dma_wait3A = arith.constant 0 : i32
      %dma_wait3A_46 = tpu.memref_slice %arg29[%mul3A_28, %dma_wait3A] : memref<8192x32xf32, #tpu.memory_space<vmem_shared>> -> memref<512x32xf32, #tpu.memory_space<vmem_shared>>
      tpu.wait_dma2 semaphore(%run_scoped3A : memref<!tpu.dma_semaphore, #tpu.memory_space<semaphore_mem>>) src(%arg10 : memref<512x32xf32, #tpu.memory_space<hbm>>) dst(%dma_wait3A_46 : memref<512x32xf32, #tpu.memory_space<vmem_shared>>)
      tpu.yield
    }) : () -> ()
    %scan3A_29 = arith.constant 0 : i32
    %scan3A_30 = arith.constant 200 : i32
    %scan3A_31 = arith.addi %scan3A_29, %scan3A_30 : i32
    %scan3A_32 = arith.constant 1 : i32
    scf.for %scan3A_45 = %scan3A_29 to %scan3A_31 step %scan3A_32  : i32 {
      %mul3A_46 = arith.constant 1 : i32
      %mul3A_47 = arith.muli %scan3A_45, %mul3A_46 : i32
      %add3A_48 = arith.constant 0 : i32
      %add3A_49 = arith.addi %add3A_48, %mul3A_47 : i32
      %mul3A_50 = arith.constant 50 : i32
      %mul3A_51 = arith.muli %mul3A_2, %mul3A_50 : i32
      %mul3A_52 = arith.constant 128 : i32
      %mul3A_53 = arith.muli %add3A_49, %mul3A_52 : i32
      %add3A_54 = arith.addi %mul3A_51, %mul3A_53 : i32
      "tpu.region"() ({
        %run_scoped3A = tpu.sem_alloc : memref<!tpu.dma_semaphore, #tpu.memory_space<semaphore_mem>>
        %dma_start3A = tpu.memref_slice %arg7[%add3A_54] : memref<819200xi32, #tpu.memory_space<hbm>> -> memref<128xi32, #tpu.memory_space<hbm>>
        %dma_start3A_55 = tpu.memref_slice %arg7[%add3A_54] : memref<819200xi32, #tpu.memory_space<hbm>> -> memref<128xi32, #tpu.memory_space<hbm>>
        tpu.enqueue_dma source(%dma_start3A_55 : memref<128xi32, #tpu.memory_space<hbm>>) target(%arg25 : memref<128xi32, #tpu.memory_space<vmem>>) target_semaphore(%run_scoped3A : memref<!tpu.dma_semaphore, #tpu.memory_space<semaphore_mem>>)
        %dma_wait3A = tpu.memref_slice %arg7[%add3A_54] : memref<819200xi32, #tpu.memory_space<hbm>> -> memref<128xi32, #tpu.memory_space<hbm>>
        %dma_wait3A_56 = tpu.memref_slice %arg7[%add3A_54] : memref<819200xi32, #tpu.memory_space<hbm>> -> memref<128xi32, #tpu.memory_space<hbm>>
        tpu.wait_dma2 semaphore(%run_scoped3A : memref<!tpu.dma_semaphore, #tpu.memory_space<semaphore_mem>>) src(%dma_wait3A_56 : memref<128xi32, #tpu.memory_space<hbm>>) dst(%arg25 : memref<128xi32, #tpu.memory_space<vmem>>)
        tpu.yield
      }) : () -> ()
      "tpu.region"() ({
        %run_scoped3A = tpu.sem_alloc : memref<!tpu.dma_semaphore, #tpu.memory_space<semaphore_mem>>
        %dma_start3A = arith.constant 0 : i32
        %dma_start3A_55 = arith.constant 0 : i32
        %dma_start3A_56 = tpu.memref_slice %arg16[%dma_start3A, %dma_start3A_55] : memref<100001x32xf32, #tpu.memory_space<hbm>> -> memref<100001x32xf32, #tpu.memory_space<hbm>>
        tpu.enqueue_indirect_dma source(%dma_start3A_56 : memref<100001x32xf32, #tpu.memory_space<hbm>>) target(%arg27 : memref<128x32xf32, #tpu.memory_space<vmem>>) offsets(%arg25 : memref<128xi32, #tpu.memory_space<vmem>>) semaphore(%run_scoped3A : memref<!tpu.dma_semaphore, #tpu.memory_space<semaphore_mem>>)
        %dma_wait3A = arith.constant 0 : i32
        %dma_wait3A_57 = arith.constant 0 : i32
        %dma_wait3A_58 = tpu.memref_slice %arg16[%dma_wait3A, %dma_wait3A_57] : memref<100001x32xf32, #tpu.memory_space<hbm>> -> memref<100001x32xf32, #tpu.memory_space<hbm>>
        tpu.wait_indirect_dma semaphore(%run_scoped3A : memref<!tpu.dma_semaphore, #tpu.memory_space<semaphore_mem>>) src(%dma_wait3A_58 : memref<100001x32xf32, #tpu.memory_space<hbm>>) dst(%arg27 : memref<128x32xf32, #tpu.memory_space<vmem>>)
        tpu.yield
      }) : () -> ()
      "tpu.region"() ({
        %run_scoped3A = tpu.sem_alloc : memref<!tpu.dma_semaphore, #tpu.memory_space<semaphore_mem>>
        %dma_start3A = arith.constant 0 : i32
        %dma_start3A_55 = tpu.memref_slice %arg28[%add3A_49, %dma_start3A] : memref<200x128xi32, #tpu.memory_space<vmem>> -> memref<1x128xi32, #tpu.memory_space<vmem>>
        %dma_start3A_56 = tpu.memref_squeeze %dma_start3A_55 : memref<1x128xi32, #tpu.memory_space<vmem>> -> memref<128xi32, #tpu.memory_space<vmem>>
        %dma_start3A_57 = arith.constant 0 : i32
        %dma_start3A_58 = arith.constant 0 : i32
        %dma_start3A_59 = tpu.memref_slice %arg29[%dma_start3A_57, %dma_start3A_58] : memref<8192x32xf32, #tpu.memory_space<vmem_shared>> -> memref<8192x32xf32, #tpu.memory_space<vmem_shared>>
        tpu.enqueue_indirect_dma source(%arg27 : memref<128x32xf32, #tpu.memory_space<vmem>>) target(%dma_start3A_59 : memref<8192x32xf32, #tpu.memory_space<vmem_shared>>) offsets(%dma_start3A_56 : memref<128xi32, #tpu.memory_space<vmem>>) semaphore(%run_scoped3A : memref<!tpu.dma_semaphore, #tpu.memory_space<semaphore_mem>>) {add = true}
        %dma_wait3A = arith.constant 0 : i32
        %dma_wait3A_60 = tpu.memref_slice %arg28[%add3A_49, %dma_wait3A] : memref<200x128xi32, #tpu.memory_space<vmem>> -> memref<1x128xi32, #tpu.memory_space<vmem>>
        %dma_wait3A_61 = tpu.memref_squeeze %dma_wait3A_60 : memref<1x128xi32, #tpu.memory_space<vmem>> -> memref<128xi32, #tpu.memory_space<vmem>>
        %dma_wait3A_62 = arith.constant 0 : i32
        %dma_wait3A_63 = arith.constant 0 : i32
        %dma_wait3A_64 = tpu.memref_slice %arg29[%dma_wait3A_62, %dma_wait3A_63] : memref<8192x32xf32, #tpu.memory_space<vmem_shared>> -> memref<8192x32xf32, #tpu.memory_space<vmem_shared>>
        tpu.wait_indirect_dma semaphore(%run_scoped3A : memref<!tpu.dma_semaphore, #tpu.memory_space<semaphore_mem>>) src(%arg27 : memref<128x32xf32, #tpu.memory_space<vmem>>) dst(%dma_wait3A_64 : memref<8192x32xf32, #tpu.memory_space<vmem_shared>>)
        tpu.yield
      }) : () -> ()
    }
    %scan3A_33 = arith.constant 200 : i32
    %mul3A_34 = arith.constant 512 : i32
    %mul3A_35 = arith.muli %arg1, %mul3A_34 : i32
    "tpu.region"() ({
      %run_scoped3A = tpu.sem_alloc : memref<!tpu.dma_semaphore, #tpu.memory_space<semaphore_mem>>
      %dma_start3A = arith.constant 0 : i32
      %dma_start3A_45 = tpu.memref_slice %arg23[%mul3A_2, %dma_start3A] : memref<16384x32xf32, #tpu.memory_space<hbm>> -> memref<512x32xf32, #tpu.memory_space<hbm>>
      %dma_start3A_46 = arith.constant 0 : i32
      %dma_start3A_47 = tpu.memref_slice %arg29[%mul3A_35, %dma_start3A_46] : memref<8192x32xf32, #tpu.memory_space<vmem_shared>> -> memref<512x32xf32, #tpu.memory_space<vmem_shared>>
      tpu.enqueue_dma source(%dma_start3A_47 : memref<512x32xf32, #tpu.memory_space<vmem_shared>>) target(%dma_start3A_45 : memref<512x32xf32, #tpu.memory_space<hbm>>) target_semaphore(%run_scoped3A : memref<!tpu.dma_semaphore, #tpu.memory_space<semaphore_mem>>)
      %dma_wait3A = arith.constant 0 : i32
      %dma_wait3A_48 = tpu.memref_slice %arg23[%mul3A_2, %dma_wait3A] : memref<16384x32xf32, #tpu.memory_space<hbm>> -> memref<512x32xf32, #tpu.memory_space<hbm>>
      %dma_wait3A_49 = arith.constant 0 : i32
      %dma_wait3A_50 = tpu.memref_slice %arg29[%mul3A_35, %dma_wait3A_49] : memref<8192x32xf32, #tpu.memory_space<vmem_shared>> -> memref<512x32xf32, #tpu.memory_space<vmem_shared>>
      tpu.wait_dma2 semaphore(%run_scoped3A : memref<!tpu.dma_semaphore, #tpu.memory_space<semaphore_mem>>) src(%dma_wait3A_50 : memref<512x32xf32, #tpu.memory_space<vmem_shared>>) dst(%dma_wait3A_48 : memref<512x32xf32, #tpu.memory_space<hbm>>)
      tpu.yield
    }) : () -> ()
    %mul3A_36 = arith.constant 512 : i32
    %mul3A_37 = arith.muli %arg1, %mul3A_36 : i32
    "tpu.region"() ({
      %run_scoped3A = tpu.sem_alloc : memref<!tpu.dma_semaphore, #tpu.memory_space<semaphore_mem>>
      %dma_start3A = arith.constant 0 : i32
      %dma_start3A_45 = tpu.memref_slice %arg29[%mul3A_37, %dma_start3A] : memref<8192x32xf32, #tpu.memory_space<vmem_shared>> -> memref<512x32xf32, #tpu.memory_space<vmem_shared>>
      tpu.enqueue_dma source(%arg10 : memref<512x32xf32, #tpu.memory_space<hbm>>) target(%dma_start3A_45 : memref<512x32xf32, #tpu.memory_space<vmem_shared>>) target_semaphore(%run_scoped3A : memref<!tpu.dma_semaphore, #tpu.memory_space<semaphore_mem>>)
      %dma_wait3A = arith.constant 0 : i32
      %dma_wait3A_46 = tpu.memref_slice %arg29[%mul3A_37, %dma_wait3A] : memref<8192x32xf32, #tpu.memory_space<vmem_shared>> -> memref<512x32xf32, #tpu.memory_space<vmem_shared>>
      tpu.wait_dma2 semaphore(%run_scoped3A : memref<!tpu.dma_semaphore, #tpu.memory_space<semaphore_mem>>) src(%arg10 : memref<512x32xf32, #tpu.memory_space<hbm>>) dst(%dma_wait3A_46 : memref<512x32xf32, #tpu.memory_space<vmem_shared>>)
      tpu.yield
    }) : () -> ()
    %scan3A_38 = arith.constant 0 : i32
    %scan3A_39 = arith.constant 200 : i32
    %scan3A_40 = arith.addi %scan3A_38, %scan3A_39 : i32
    %scan3A_41 = arith.constant 1 : i32
    scf.for %scan3A_45 = %scan3A_38 to %scan3A_40 step %scan3A_41  : i32 {
      %mul3A_46 = arith.constant 1 : i32
      %mul3A_47 = arith.muli %scan3A_45, %mul3A_46 : i32
      %add3A_48 = arith.constant 0 : i32
      %add3A_49 = arith.addi %add3A_48, %mul3A_47 : i32
      %mul3A_50 = arith.constant 50 : i32
      %mul3A_51 = arith.muli %mul3A_2, %mul3A_50 : i32
      %mul3A_52 = arith.constant 128 : i32
      %mul3A_53 = arith.muli %add3A_49, %mul3A_52 : i32
      %add3A_54 = arith.addi %mul3A_51, %mul3A_53 : i32
      "tpu.region"() ({
        %run_scoped3A = tpu.sem_alloc : memref<!tpu.dma_semaphore, #tpu.memory_space<semaphore_mem>>
        %dma_start3A = tpu.memref_slice %arg8[%add3A_54] : memref<819200xi32, #tpu.memory_space<hbm>> -> memref<128xi32, #tpu.memory_space<hbm>>
        %dma_start3A_55 = tpu.memref_slice %arg8[%add3A_54] : memref<819200xi32, #tpu.memory_space<hbm>> -> memref<128xi32, #tpu.memory_space<hbm>>
        tpu.enqueue_dma source(%dma_start3A_55 : memref<128xi32, #tpu.memory_space<hbm>>) target(%arg25 : memref<128xi32, #tpu.memory_space<vmem>>) target_semaphore(%run_scoped3A : memref<!tpu.dma_semaphore, #tpu.memory_space<semaphore_mem>>)
        %dma_wait3A = tpu.memref_slice %arg8[%add3A_54] : memref<819200xi32, #tpu.memory_space<hbm>> -> memref<128xi32, #tpu.memory_space<hbm>>
        %dma_wait3A_56 = tpu.memref_slice %arg8[%add3A_54] : memref<819200xi32, #tpu.memory_space<hbm>> -> memref<128xi32, #tpu.memory_space<hbm>>
        tpu.wait_dma2 semaphore(%run_scoped3A : memref<!tpu.dma_semaphore, #tpu.memory_space<semaphore_mem>>) src(%dma_wait3A_56 : memref<128xi32, #tpu.memory_space<hbm>>) dst(%arg25 : memref<128xi32, #tpu.memory_space<vmem>>)
        tpu.yield
      }) : () -> ()
      "tpu.region"() ({
        %run_scoped3A = tpu.sem_alloc : memref<!tpu.dma_semaphore, #tpu.memory_space<semaphore_mem>>
        %dma_start3A = arith.constant 0 : i32
        %dma_start3A_55 = arith.constant 0 : i32
        %dma_start3A_56 = tpu.memref_slice %arg17[%dma_start3A, %dma_start3A_55] : memref<100001x32xf32, #tpu.memory_space<hbm>> -> memref<100001x32xf32, #tpu.memory_space<hbm>>
        tpu.enqueue_indirect_dma source(%dma_start3A_56 : memref<100001x32xf32, #tpu.memory_space<hbm>>) target(%arg27 : memref<128x32xf32, #tpu.memory_space<vmem>>) offsets(%arg25 : memref<128xi32, #tpu.memory_space<vmem>>) semaphore(%run_scoped3A : memref<!tpu.dma_semaphore, #tpu.memory_space<semaphore_mem>>)
        %dma_wait3A = arith.constant 0 : i32
        %dma_wait3A_57 = arith.constant 0 : i32
        %dma_wait3A_58 = tpu.memref_slice %arg17[%dma_wait3A, %dma_wait3A_57] : memref<100001x32xf32, #tpu.memory_space<hbm>> -> memref<100001x32xf32, #tpu.memory_space<hbm>>
        tpu.wait_indirect_dma semaphore(%run_scoped3A : memref<!tpu.dma_semaphore, #tpu.memory_space<semaphore_mem>>) src(%dma_wait3A_58 : memref<100001x32xf32, #tpu.memory_space<hbm>>) dst(%arg27 : memref<128x32xf32, #tpu.memory_space<vmem>>)
        tpu.yield
      }) : () -> ()
      "tpu.region"() ({
        %run_scoped3A = tpu.sem_alloc : memref<!tpu.dma_semaphore, #tpu.memory_space<semaphore_mem>>
        %dma_start3A = arith.constant 0 : i32
        %dma_start3A_55 = tpu.memref_slice %arg28[%add3A_49, %dma_start3A] : memref<200x128xi32, #tpu.memory_space<vmem>> -> memref<1x128xi32, #tpu.memory_space<vmem>>
        %dma_start3A_56 = tpu.memref_squeeze %dma_start3A_55 : memref<1x128xi32, #tpu.memory_space<vmem>> -> memref<128xi32, #tpu.memory_space<vmem>>
        %dma_start3A_57 = arith.constant 0 : i32
        %dma_start3A_58 = arith.constant 0 : i32
        %dma_start3A_59 = tpu.memref_slice %arg29[%dma_start3A_57, %dma_start3A_58] : memref<8192x32xf32, #tpu.memory_space<vmem_shared>> -> memref<8192x32xf32, #tpu.memory_space<vmem_shared>>
        tpu.enqueue_indirect_dma source(%arg27 : memref<128x32xf32, #tpu.memory_space<vmem>>) target(%dma_start3A_59 : memref<8192x32xf32, #tpu.memory_space<vmem_shared>>) offsets(%dma_start3A_56 : memref<128xi32, #tpu.memory_space<vmem>>) semaphore(%run_scoped3A : memref<!tpu.dma_semaphore, #tpu.memory_space<semaphore_mem>>) {add = true}
        %dma_wait3A = arith.constant 0 : i32
        %dma_wait3A_60 = tpu.memref_slice %arg28[%add3A_49, %dma_wait3A] : memref<200x128xi32, #tpu.memory_space<vmem>> -> memref<1x128xi32, #tpu.memory_space<vmem>>
        %dma_wait3A_61 = tpu.memref_squeeze %dma_wait3A_60 : memref<1x128xi32, #tpu.memory_space<vmem>> -> memref<128xi32, #tpu.memory_space<vmem>>
        %dma_wait3A_62 = arith.constant 0 : i32
        %dma_wait3A_63 = arith.constant 0 : i32
        %dma_wait3A_64 = tpu.memref_slice %arg29[%dma_wait3A_62, %dma_wait3A_63] : memref<8192x32xf32, #tpu.memory_space<vmem_shared>> -> memref<8192x32xf32, #tpu.memory_space<vmem_shared>>
        tpu.wait_indirect_dma semaphore(%run_scoped3A : memref<!tpu.dma_semaphore, #tpu.memory_space<semaphore_mem>>) src(%arg27 : memref<128x32xf32, #tpu.memory_space<vmem>>) dst(%dma_wait3A_64 : memref<8192x32xf32, #tpu.memory_space<vmem_shared>>)
        tpu.yield
      }) : () -> ()
    }
    %scan3A_42 = arith.constant 200 : i32
    %mul3A_43 = arith.constant 512 : i32
    %mul3A_44 = arith.muli %arg1, %mul3A_43 : i32
    "tpu.region"() ({
      %run_scoped3A = tpu.sem_alloc : memref<!tpu.dma_semaphore, #tpu.memory_space<semaphore_mem>>
      %dma_start3A = arith.constant 0 : i32
      %dma_start3A_45 = tpu.memref_slice %arg24[%mul3A_2, %dma_start3A] : memref<16384x32xf32, #tpu.memory_space<hbm>> -> memref<512x32xf32, #tpu.memory_space<hbm>>
      %dma_start3A_46 = arith.constant 0 : i32
      %dma_start3A_47 = tpu.memref_slice %arg29[%mul3A_44, %dma_start3A_46] : memref<8192x32xf32, #tpu.memory_space<vmem_shared>> -> memref<512x32xf32, #tpu.memory_space<vmem_shared>>
      tpu.enqueue_dma source(%dma_start3A_47 : memref<512x32xf32, #tpu.memory_space<vmem_shared>>) target(%dma_start3A_45 : memref<512x32xf32, #tpu.memory_space<hbm>>) target_semaphore(%run_scoped3A : memref<!tpu.dma_semaphore, #tpu.memory_space<semaphore_mem>>)
      %dma_wait3A = arith.constant 0 : i32
      %dma_wait3A_48 = tpu.memref_slice %arg24[%mul3A_2, %dma_wait3A] : memref<16384x32xf32, #tpu.memory_space<hbm>> -> memref<512x32xf32, #tpu.memory_space<hbm>>
      %dma_wait3A_49 = arith.constant 0 : i32
      %dma_wait3A_50 = tpu.memref_slice %arg29[%mul3A_44, %dma_wait3A_49] : memref<8192x32xf32, #tpu.memory_space<vmem_shared>> -> memref<512x32xf32, #tpu.memory_space<vmem_shared>>
      tpu.wait_dma2 semaphore(%run_scoped3A : memref<!tpu.dma_semaphore, #tpu.memory_space<semaphore_mem>>) src(%dma_wait3A_50 : memref<512x32xf32, #tpu.memory_space<vmem_shared>>) dst(%dma_wait3A_48 : memref<512x32xf32, #tpu.memory_space<hbm>>)
      tpu.yield
    }) : () -> ()
    return
  }
}

module attributes {stable_mosaic.version = 14 : i64} {
  func.func @_mlp_body(%arg0: i32, %arg1: memref<512x64xf32, #tpu.memory_space<vmem>>, %arg2: memref<512x32xf32, #tpu.memory_space<vmem>>, %arg3: memref<512x32xf32, #tpu.memory_space<vmem>>, %arg4: memref<512x32xf32, #tpu.memory_space<vmem>>, %arg5: memref<512x32xf32, #tpu.memory_space<vmem>>, %arg6: memref<512x32xf32, #tpu.memory_space<vmem>>, %arg7: memref<512x32xf32, #tpu.memory_space<vmem>>, %arg8: memref<512x8xf32, #tpu.memory_space<vmem>>, %arg9: memref<256x256xf32, #tpu.memory_space<vmem>>, %arg10: memref<8x256xf32, #tpu.memory_space<vmem>>, %arg11: memref<1x256xf32, #tpu.memory_space<vmem>>, %arg12: memref<256x128xf32, #tpu.memory_space<vmem>>, %arg13: memref<1x128xf32, #tpu.memory_space<vmem>>, %arg14: memref<512x128xf32, #tpu.memory_space<vmem>>) attributes {dimension_semantics = [#tpu.dimension_semantics<arbitrary>], iteration_bounds = array<i64: 32>, scalar_prefetch = 0 : i64, scratch_operands = 0 : i64, tpu.core_type = #tpu.core_type<tc>, window_params = [{transform_indices = @transform_0, window_bounds = array<i64: 512, 64>}, {transform_indices = @transform_1, window_bounds = array<i64: 512, 32>}, {transform_indices = @transform_2, window_bounds = array<i64: 512, 32>}, {transform_indices = @transform_3, window_bounds = array<i64: 512, 32>}, {transform_indices = @transform_4, window_bounds = array<i64: 512, 32>}, {transform_indices = @transform_5, window_bounds = array<i64: 512, 32>}, {transform_indices = @transform_6, window_bounds = array<i64: 512, 32>}, {transform_indices = @transform_7, window_bounds = array<i64: 512, 8>}, {pipeline_mode = #tpu.pipeline_mode<synchronous>, transform_indices = @transform_8, window_bounds = array<i64: 256, 256>}, {pipeline_mode = #tpu.pipeline_mode<synchronous>, transform_indices = @transform_9, window_bounds = array<i64: 8, 256>}, {pipeline_mode = #tpu.pipeline_mode<synchronous>, transform_indices = @transform_10, window_bounds = array<i64: 1, 256>}, {pipeline_mode = #tpu.pipeline_mode<synchronous>, transform_indices = @transform_11, window_bounds = array<i64: 256, 128>}, {pipeline_mode = #tpu.pipeline_mode<synchronous>, transform_indices = @transform_12, window_bounds = array<i64: 1, 128>}, {transform_indices = @transform_13, window_bounds = array<i64: 512, 128>}]} {
    %get3A = arith.constant 0 : index
    %get3A_0 = arith.constant 0 : index
    %get3A_1 = vector.load %arg1[%get3A, %get3A_0] : memref<512x64xf32, #tpu.memory_space<vmem>>, vector<512x64xf32>
    %get3A_2 = arith.constant 0 : index
    %get3A_3 = arith.constant 0 : index
    %get3A_4 = vector.load %arg9[%get3A_2, %get3A_3] : memref<256x256xf32, #tpu.memory_space<vmem>>, vector<64x256xf32>
    %dot_general3A = arith.constant dense<0.000000e+00> : vector<512x256xf32>
    %dot_general3A_5 = tpu.matmul %get3A_1, %get3A_4, %dot_general3A {dimension_numbers = #tpu.dot_dimension_numbers<[1], [0], [0], [1], [0, 0, 1, 1], [], []>, transpose_lhs_hint = false} : vector<512x64xf32>, vector<64x256xf32>, vector<512x256xf32> -> vector<512x256xf32>
    %get3A_6 = arith.constant 0 : index
    %get3A_7 = arith.constant 0 : index
    %get3A_8 = vector.load %arg2[%get3A_6, %get3A_7] : memref<512x32xf32, #tpu.memory_space<vmem>>, vector<512x32xf32>
    %get3A_9 = arith.constant 64 : index
    %get3A_10 = arith.constant 0 : index
    %get3A_11 = vector.load %arg9[%get3A_9, %get3A_10] : memref<256x256xf32, #tpu.memory_space<vmem>>, vector<32x256xf32>
    %dot_general3A_12 = arith.constant dense<0.000000e+00> : vector<512x256xf32>
    %dot_general3A_13 = tpu.matmul %get3A_8, %get3A_11, %dot_general3A_12 {dimension_numbers = #tpu.dot_dimension_numbers<[1], [0], [0], [1], [0, 0, 1, 1], [], []>, transpose_lhs_hint = false} : vector<512x32xf32>, vector<32x256xf32>, vector<512x256xf32> -> vector<512x256xf32>
    %add3A = arith.addf %dot_general3A_5, %dot_general3A_13 : vector<512x256xf32>
    %get3A_14 = arith.constant 0 : index
    %get3A_15 = arith.constant 0 : index
    %get3A_16 = vector.load %arg3[%get3A_14, %get3A_15] : memref<512x32xf32, #tpu.memory_space<vmem>>, vector<512x32xf32>
    %get3A_17 = arith.constant 96 : index
    %get3A_18 = arith.constant 0 : index
    %get3A_19 = vector.load %arg9[%get3A_17, %get3A_18] : memref<256x256xf32, #tpu.memory_space<vmem>>, vector<32x256xf32>
    %dot_general3A_20 = arith.constant dense<0.000000e+00> : vector<512x256xf32>
    %dot_general3A_21 = tpu.matmul %get3A_16, %get3A_19, %dot_general3A_20 {dimension_numbers = #tpu.dot_dimension_numbers<[1], [0], [0], [1], [0, 0, 1, 1], [], []>, transpose_lhs_hint = false} : vector<512x32xf32>, vector<32x256xf32>, vector<512x256xf32> -> vector<512x256xf32>
    %add3A_22 = arith.addf %add3A, %dot_general3A_21 : vector<512x256xf32>
    %get3A_23 = arith.constant 0 : index
    %get3A_24 = arith.constant 0 : index
    %get3A_25 = vector.load %arg4[%get3A_23, %get3A_24] : memref<512x32xf32, #tpu.memory_space<vmem>>, vector<512x32xf32>
    %get3A_26 = arith.constant 128 : index
    %get3A_27 = arith.constant 0 : index
    %get3A_28 = vector.load %arg9[%get3A_26, %get3A_27] : memref<256x256xf32, #tpu.memory_space<vmem>>, vector<32x256xf32>
    %dot_general3A_29 = arith.constant dense<0.000000e+00> : vector<512x256xf32>
    %dot_general3A_30 = tpu.matmul %get3A_25, %get3A_28, %dot_general3A_29 {dimension_numbers = #tpu.dot_dimension_numbers<[1], [0], [0], [1], [0, 0, 1, 1], [], []>, transpose_lhs_hint = false} : vector<512x32xf32>, vector<32x256xf32>, vector<512x256xf32> -> vector<512x256xf32>
    %add3A_31 = arith.addf %add3A_22, %dot_general3A_30 : vector<512x256xf32>
    %get3A_32 = arith.constant 0 : index
    %get3A_33 = arith.constant 0 : index
    %get3A_34 = vector.load %arg5[%get3A_32, %get3A_33] : memref<512x32xf32, #tpu.memory_space<vmem>>, vector<512x32xf32>
    %get3A_35 = arith.constant 160 : index
    %get3A_36 = arith.constant 0 : index
    %get3A_37 = vector.load %arg9[%get3A_35, %get3A_36] : memref<256x256xf32, #tpu.memory_space<vmem>>, vector<32x256xf32>
    %dot_general3A_38 = arith.constant dense<0.000000e+00> : vector<512x256xf32>
    %dot_general3A_39 = tpu.matmul %get3A_34, %get3A_37, %dot_general3A_38 {dimension_numbers = #tpu.dot_dimension_numbers<[1], [0], [0], [1], [0, 0, 1, 1], [], []>, transpose_lhs_hint = false} : vector<512x32xf32>, vector<32x256xf32>, vector<512x256xf32> -> vector<512x256xf32>
    %add3A_40 = arith.addf %add3A_31, %dot_general3A_39 : vector<512x256xf32>
    %get3A_41 = arith.constant 0 : index
    %get3A_42 = arith.constant 0 : index
    %get3A_43 = vector.load %arg6[%get3A_41, %get3A_42] : memref<512x32xf32, #tpu.memory_space<vmem>>, vector<512x32xf32>
    %get3A_44 = arith.constant 192 : index
    %get3A_45 = arith.constant 0 : index
    %get3A_46 = vector.load %arg9[%get3A_44, %get3A_45] : memref<256x256xf32, #tpu.memory_space<vmem>>, vector<32x256xf32>
    %dot_general3A_47 = arith.constant dense<0.000000e+00> : vector<512x256xf32>
    %dot_general3A_48 = tpu.matmul %get3A_43, %get3A_46, %dot_general3A_47 {dimension_numbers = #tpu.dot_dimension_numbers<[1], [0], [0], [1], [0, 0, 1, 1], [], []>, transpose_lhs_hint = false} : vector<512x32xf32>, vector<32x256xf32>, vector<512x256xf32> -> vector<512x256xf32>
    %add3A_49 = arith.addf %add3A_40, %dot_general3A_48 : vector<512x256xf32>
    %get3A_50 = arith.constant 0 : index
    %get3A_51 = arith.constant 0 : index
    %get3A_52 = vector.load %arg7[%get3A_50, %get3A_51] : memref<512x32xf32, #tpu.memory_space<vmem>>, vector<512x32xf32>
    %get3A_53 = arith.constant 224 : index
    %get3A_54 = arith.constant 0 : index
    %get3A_55 = vector.load %arg9[%get3A_53, %get3A_54] : memref<256x256xf32, #tpu.memory_space<vmem>>, vector<32x256xf32>
    %dot_general3A_56 = arith.constant dense<0.000000e+00> : vector<512x256xf32>
    %dot_general3A_57 = tpu.matmul %get3A_52, %get3A_55, %dot_general3A_56 {dimension_numbers = #tpu.dot_dimension_numbers<[1], [0], [0], [1], [0, 0, 1, 1], [], []>, transpose_lhs_hint = false} : vector<512x32xf32>, vector<32x256xf32>, vector<512x256xf32> -> vector<512x256xf32>
    %add3A_58 = arith.addf %add3A_49, %dot_general3A_57 : vector<512x256xf32>
    %get3A_59 = arith.constant 0 : index
    %get3A_60 = arith.constant 0 : index
    %get3A_61 = vector.load %arg8[%get3A_59, %get3A_60] : memref<512x8xf32, #tpu.memory_space<vmem>>, vector<512x8xf32>
    %get3A_62 = arith.constant 0 : index
    %get3A_63 = arith.constant 0 : index
    %get3A_64 = vector.load %arg10[%get3A_62, %get3A_63] : memref<8x256xf32, #tpu.memory_space<vmem>>, vector<8x256xf32>
    %dot_general3A_65 = arith.constant dense<0.000000e+00> : vector<512x256xf32>
    %dot_general3A_66 = tpu.matmul %get3A_61, %get3A_64, %dot_general3A_65 {dimension_numbers = #tpu.dot_dimension_numbers<[1], [0], [0], [1], [0, 0, 1, 1], [], []>, transpose_lhs_hint = false} : vector<512x8xf32>, vector<8x256xf32>, vector<512x256xf32> -> vector<512x256xf32>
    %add3A_67 = arith.addf %add3A_58, %dot_general3A_66 : vector<512x256xf32>
    %get3A_68 = arith.constant 0 : index
    %get3A_69 = arith.constant 0 : index
    %get3A_70 = vector.load %arg11[%get3A_68, %get3A_69] : memref<1x256xf32, #tpu.memory_space<vmem>>, vector<1x256xf32>
    %add3A_71 = vector.broadcast %get3A_70 : vector<1x256xf32> to vector<512x256xf32>
    %add3A_72 = arith.addf %add3A_67, %add3A_71 : vector<512x256xf32>
    %max3A = arith.constant 0.000000e+00 : f32
    %max3A_73 = vector.broadcast %max3A : f32 to vector<512x256xf32>
    %max3A_74 = arith.maximumf %add3A_72, %max3A_73 : vector<512x256xf32>
    %get3A_75 = arith.constant 0 : index
    %get3A_76 = arith.constant 0 : index
    %get3A_77 = vector.load %arg12[%get3A_75, %get3A_76] : memref<256x128xf32, #tpu.memory_space<vmem>>, vector<256x128xf32>
    %dot_general3A_78 = arith.constant dense<0.000000e+00> : vector<512x128xf32>
    %dot_general3A_79 = tpu.matmul %max3A_74, %get3A_77, %dot_general3A_78 {dimension_numbers = #tpu.dot_dimension_numbers<[1], [0], [0], [1], [0, 0, 1, 1], [], []>, transpose_lhs_hint = false} : vector<512x256xf32>, vector<256x128xf32>, vector<512x128xf32> -> vector<512x128xf32>
    %get3A_80 = arith.constant 0 : index
    %get3A_81 = arith.constant 0 : index
    %get3A_82 = vector.load %arg13[%get3A_80, %get3A_81] : memref<1x128xf32, #tpu.memory_space<vmem>>, vector<1x128xf32>
    %add3A_83 = vector.broadcast %get3A_82 : vector<1x128xf32> to vector<512x128xf32>
    %add3A_84 = arith.addf %dot_general3A_79, %add3A_83 : vector<512x128xf32>
    %swap3A = arith.constant 0 : index
    %swap3A_85 = arith.constant 0 : index
    %swap3A_86 = vector.load %arg14[%swap3A, %swap3A_85] : memref<512x128xf32, #tpu.memory_space<vmem>>, vector<512x128xf32>
    tpu.vector_store %arg14[%swap3A, %swap3A_85], %add3A_84 {strides = array<i32>} : memref<512x128xf32, #tpu.memory_space<vmem>>, vector<512x128xf32>,
    return
  }
  func.func @transform_0(%arg0: i32) -> (i32, i32) {
    %c0_i32 = arith.constant 0 : i32
    %c0_i32_0 = arith.constant 0 : i32
    return %arg0, %c0_i32 : i32, i32
  }
  func.func @transform_1(%arg0: i32) -> (i32, i32) {
    %c0_i32 = arith.constant 0 : i32
    %c0_i32_0 = arith.constant 0 : i32
    return %arg0, %c0_i32 : i32, i32
  }
  func.func @transform_2(%arg0: i32) -> (i32, i32) {
    %c0_i32 = arith.constant 0 : i32
    %c0_i32_0 = arith.constant 0 : i32
    return %arg0, %c0_i32 : i32, i32
  }
  func.func @transform_3(%arg0: i32) -> (i32, i32) {
    %c0_i32 = arith.constant 0 : i32
    %c0_i32_0 = arith.constant 0 : i32
    return %arg0, %c0_i32 : i32, i32
  }
  func.func @transform_4(%arg0: i32) -> (i32, i32) {
    %c0_i32 = arith.constant 0 : i32
    %c0_i32_0 = arith.constant 0 : i32
    return %arg0, %c0_i32 : i32, i32
  }
  func.func @transform_5(%arg0: i32) -> (i32, i32) {
    %c0_i32 = arith.constant 0 : i32
    %c0_i32_0 = arith.constant 0 : i32
    return %arg0, %c0_i32 : i32, i32
  }
  func.func @transform_6(%arg0: i32) -> (i32, i32) {
    %c0_i32 = arith.constant 0 : i32
    %c0_i32_0 = arith.constant 0 : i32
    return %arg0, %c0_i32 : i32, i32
  }
  func.func @transform_7(%arg0: i32) -> (i32, i32) {
    %c0_i32 = arith.constant 0 : i32
    %c0_i32_0 = arith.constant 0 : i32
    return %arg0, %c0_i32 : i32, i32
  }
  func.func @transform_8(%arg0: i32) -> (i32, i32) {
    %c0_i32 = arith.constant 0 : i32
    %c0_i32_0 = arith.constant 0 : i32
    %c0_i32_1 = arith.constant 0 : i32
    return %c0_i32, %c0_i32_0 : i32, i32
  }
  func.func @transform_9(%arg0: i32) -> (i32, i32) {
    %c0_i32 = arith.constant 0 : i32
    %c0_i32_0 = arith.constant 0 : i32
    %c0_i32_1 = arith.constant 0 : i32
    return %c0_i32, %c0_i32_0 : i32, i32
  }
  func.func @transform_10(%arg0: i32) -> (i32, i32) {
    %c0_i32 = arith.constant 0 : i32
    %c0_i32_0 = arith.constant 0 : i32
    %c0_i32_1 = arith.constant 0 : i32
    return %c0_i32, %c0_i32_0 : i32, i32
  }
  func.func @transform_11(%arg0: i32) -> (i32, i32) {
    %c0_i32 = arith.constant 0 : i32
    %c0_i32_0 = arith.constant 0 : i32
    %c0_i32_1 = arith.constant 0 : i32
    return %c0_i32, %c0_i32_0 : i32, i32
  }
  func.func @transform_12(%arg0: i32) -> (i32, i32) {
    %c0_i32 = arith.constant 0 : i32
    %c0_i32_0 = arith.constant 0 : i32
    %c0_i32_1 = arith.constant 0 : i32
    return %c0_i32, %c0_i32_0 : i32, i32
  }
  func.func @transform_13(%arg0: i32) -> (i32, i32) {
    %c0_i32 = arith.constant 0 : i32
    %c0_i32_0 = arith.constant 0 : i32
    return %arg0, %c0_i32 : i32, i32
  }
}

</mosaic_0001>

<sc_bundles>
// kernel: kernel.4.cloned.1.call-start
scs
__scs_entry_jumppad:
0x0: {  	(pc) =	sbr.rel $0x88, $3  }
0x1: {  	(tag) =	ssettag $0x0;
	lr =	simm.s32 $0x1  }
0x2: {  	[smem:$0x3F8C] =	sst lr;
	_ =	strace $0xD0000000  }
0x3: {  	_ = 	snop  }
0x4: {  	_ = 	snop  }
0x5: {  	_ = 	snop  }
0x6: {  	_ = 	snop  }
0x7: {  	_ = 	snop  }
__scs_overlays_trampoline_lowered:
0x8: {  	[smem:$0x3F9B] =	sst s0  }
0x9: {  	[smem:$0x3F9C] =	sst s1  }
0xa: {  	[smem:$0x3F9D] =	sst s2  }
0xb: {  	[smem:$0x3F9E] =	sst s3  }
0xc: {  	[smem:$0x3F9F] =	sst s4  }
0xd: {  	[smem:$0x3FA0] =	sst s5  }
0xe: {  	[smem:$0x3FA1] =	sst s6  }
0xf: {  	[smem:$0x3FA2] =	sst s7  }
0x10: {  	[smem:$0x3FA3] =	sst s8  }
0x11: {  	[smem:$0x3FA4] =	sst s9;
	s0 =	simm.s32 @!p0 $0x0  }
0x12: {  	s1 =	sld [smem:$0x3F8A];
	s0 =	simm.s32 @p0 $0x1  }
0x13: {  	[smem:$0x3FA5] =	sst s0;
	s0 =	simm.s32 @!p1 $0x0  }
0x14: {  	s2 =	sld [smem:$0x3F89];
	s0 =	simm.s32 @p1 $0x1  }
0x15: {  	[smem:$0x3FA6] =	sst s0;
	s0 =	simm.s32 @!p2 $0x0  }
0x16: {  	s3 =	sld [smem:$0x3FDB];
	s0 =	simm.s32 @p2 $0x1  }
0x17: {  	s4 =	simm.s32 $0x1BF5;
	[smem:$0x3FA8] =	sst s0  }
0x18: {  	s0 =	sld [smem:$0x3F8B];
	_ =	swait.ge [sflag:s4], $0x0  }
0x19: {  	s7 =	sld [smem:$0x3F8C]  }
0x1a: {  	s8 =	sadd.s32 $0xFFFFE003, lr  }
0x1b: {  	s9 =	sadd.s32 $0xFFFFFEF7, lr;
	s5 =	simm.s32 $0xFFFFFFFF;
	p2 =	slt.u32 s8, $0xFFFFF086  }
0x1c: {  	p1 =	slt.u32 s9, $0xF7A;
	s5 =	simm.s32 @!p2 $0x0  }
0x1d: {  	s5 =	simm.s32 @p1 $0x1;
	p0 =	seq.s32 s7, s2  }
0x1e: {  	s7 =	smul.u32 @!p0 $0xF7A, s2;
	p2 =	seq.s32 @!p0 s5, $0x0  }
0x1f: {  	s9 =	smul.u32 $0xF7A, s1;
	s8 =	simm.s32 @!p0 $0x1BF5;
	p2 =	por !p2, p0  }
0x20: {  	[sflag:s8] =	ssyncset.s32 @!p0 $0xFFFFF086;
	s6 =	sadd.s32 @!p0 s3, s7;
	s7 =	simm.s32 @!p0 $0x108  }
0x21: {  	s3 =	sadd.s32 s3, s9;
	s6 =	sadd.s32 @!p0 $0x88, s6;
	s7 =	simm.s32 @p2 $0x1082  }
0x22: {  	[simem:s7], [sflag:s8] =	dma.local @!p0 [hbm:s6], $0xF7A  }
0x23: {  	s9 =	sor.u32 $0xD0000000, s2;
	s6 =	simm.s32 $0x108;
	_ =	swait.ge @!p0 [sflag:s8], $0x0  }
0x24: {  	s3 =	sadd.s32 $0x88, s3;
	s6 =	simm.s32 @!p1 $0x1082;
	[sflag:s4] =	ssyncset.s32 $0xFFFFF086  }
0x25: {  	[simem:s6], [sflag:s4] =	dma.local [hbm:s3], $0xF7A  }
0x26: {  	[smem:$0x3F8C] =	sst s1;
	(tag) =	ssettag s2;
	_ =	strace s9  }
0x27: {  	s1 =	sld [smem:$0x3F9C]  }
0x28: {  	s2 =	sld [smem:$0x3F9D]  }
0x29: {  	s4 =	sld [smem:$0x3F9F]  }
0x2a: {  	p0 =	seq.s32 s5, $0x0;
	s5 =	sld [smem:$0x3FA0]  }
0x2b: {  	s6 =	sld [smem:$0x3FA1]  }
0x2c: {  	s7 =	sld [smem:$0x3FA2]  }
0x2d: {  	s3 =	simm.s32 $0x108;
	s8 =	sld [smem:$0x3FA3]  }
0x2e: {  	s3 =	simm.s32 @!p0 $0x1082;
	s9 =	sld [smem:$0x3FA4]  }
0x2f: {  	lr =	sadd.s32 s0, s3;
	s0 =	sld [smem:$0x3F9B]  }
0x30: {  	s3 =	sld [smem:$0x3F9E]  }
0x31: {  	[smem:$0x3FA7] =	sst s10  }
0x32: {  	s10 =	sld [smem:$0x3FA5];
	_ =	sdelay $0x3  }
0x33: {  	p0 =	seq.s32 s10, $0x1;
	s10 =	sld [smem:$0x3FA7];
	_ =	sdelay $0x3  }
0x34: {  	[smem:$0x3FA7] =	sst s10  }
0x35: {  	s10 =	sld [smem:$0x3FA6];
	_ =	sdelay $0x3  }
0x36: {  	p1 =	seq.s32 s10, $0x1;
	s10 =	sld [smem:$0x3FA7];
	_ =	sdelay $0x3  }
0x37: {  	[smem:$0x3FA7] =	sst s10  }
0x38: {  	s10 =	sld [smem:$0x3FA8]  }
0x39: {  	_ = 	snop;
	(pc) =	sbr.ind lr, $3  }
0x3a: {  	_ = 	snop  }
0x3b: {  	_ = 	snop  }
0x3c: {  	p2 =	seq.s32 s10, $0x1;
	s10 =	sld [smem:$0x3FA7]  }
0x3d: {  	_ =	shalt  }
0x3e: {  	_ =	shalt  }
0x3f: {  	_ =	shalt  }
0x40: {  	_ =	shalt  }
0x41: {  	_ =	shalt  }
0x42: {  	_ =	shalt  }
0x43: {  	_ =	shalt  }
0x44: {  	_ =	shalt  }
0x45: {  	_ =	shalt  }
0x46: {  	_ =	shalt  }
0x47: {  	_ =	shalt  }
0x48: {  	_ =	shalt  }
0x49: {  	_ =	shalt  }
0x4a: {  	_ =	shalt  }
0x4b: {  	_ =	shalt  }
0x4c: {  	_ =	shalt  }
0x4d: {  	_ =	shalt  }
0x4e: {  	_ =	shalt  }
0x4f: {  	_ =	shalt  }
0x50: {  	_ =	shalt  }
0x51: {  	_ =	shalt  }
0x52: {  	_ =	shalt  }
0x53: {  	_ =	shalt  }
0x54: {  	_ =	shalt  }
0x55: {  	_ =	shalt  }
0x56: {  	_ =	shalt  }
0x57: {  	_ =	shalt  }
0x58: {  	_ =	shalt  }
0x59: {  	_ =	shalt  }
0x5a: {  	_ =	shalt  }
0x5b: {  	_ =	shalt  }
0x5c: {  	_ =	shalt  }
0x5d: {  	_ =	shalt  }
0x5e: {  	_ =	shalt  }
0x5f: {  	_ =	shalt  }
0x60: {  	_ =	shalt  }
0x61: {  	_ =	shalt  }
0x62: {  	_ =	shalt  }
0x63: {  	_ =	shalt  }
0x64: {  	_ =	shalt  }
0x65: {  	_ =	shalt  }
0x66: {  	_ =	shalt  }
0x67: {  	_ =	shalt  }
0x68: {  	_ =	shalt  }
0x69: {  	_ =	shalt  }
0x6a: {  	_ =	shalt  }
0x6b: {  	_ =	shalt  }
0x6c: {  	_ =	shalt  }
0x6d: {  	_ =	shalt  }
0x6e: {  	_ =	shalt  }
0x6f: {  	_ =	shalt  }
0x70: {  	_ =	shalt  }
0x71: {  	_ =	shalt  }
0x72: {  	_ =	shalt  }
0x73: {  	_ =	shalt  }
0x74: {  	_ =	shalt  }
0x75: {  	_ =	shalt  }
0x76: {  	_ =	shalt  }
0x77: {  	_ =	shalt  }
0x78: {  	_ =	shalt  }
0x79: {  	_ =	shalt  }
0x7a: {  	_ =	shalt  }
0x7b: {  	_ =	shalt  }
0x7c: {  	_ =	shalt  }
0x7d: {  	_ =	shalt  }
0x7e: {  	_ =	shalt  }
0x7f: {  	_ =	shalt  }
0x80: {  	_ =	shalt  }
0x81: {  	_ =	shalt  }
0x82: {  	_ =	shalt  }
0x83: {  	_ =	shalt  }
0x84: {  	_ =	shalt  }
0x85: {  	_ =	shalt  }
0x86: {  	_ =	shalt  }
0x87: {  	_ =	shalt  }
.Lfunc_end0:
.L_simem_size_0:
called_computation_lowered:
.L_overlay_start_0:
0x88: {  	s2 =	sld [smem:$0x3FD9]  }
0x89: {  	s3 =	sld [smem:$0x3FFE];
	_ =	sdelay $0x1  }
0x8a: {  	s1 =	srdreg.scid  }
0x8b: {  	s0 =	sand.u32 $0x1, s1  }
0x8c: {  	s17 =	sshll.u32 s0, $0xA;
	s2 =	sadd.s32 s3, s2  }
0x8d: {  	s2 =	sadd.s32 s2, s17  }
0x8e: {  	[smem:$0x3FB3] =	sst s2  }
0x8f: {  	_ = 	snop  }
0x90: {  	s2 =	sld [smem:$0x3FC9]  }
0x91: {  	s18 =	sld [smem:$0x3FC8]  }
0x92: {  	s4 =	sld [smem:$0x3FC7]  }
0x93: {  	s5 =	sld [smem:$0x3FC6]  }
0x94: {  	s6 =	sld [smem:$0x3FC5]  }
0x95: {  	s7 =	sld [smem:$0x3FD0];
	(tm) =	ssettm $0x1  }
0x96: {  	s8 =	sld [smem:$0x3FFB];
	_ =	sdelay $0x3  }
0x97: {  	_ =	strace s8  }
0x98: {  	s8 =	sld [smem:$0x3FFC];
	_ =	sdelay $0x3  }
0x99: {  	_ =	strace s8  }
0x9a: {  	s8 =	sld [smem:$0x3FFD];
	_ =	sdelay $0x3  }
0x9b: {  	_ =	strace s8  }
0x9c: {  	_ =	strace $0x8FFFFFFF  }
0x9d: {  	s19 =	sld [smem:$0x3FDB];
	_ =	sdelay $0x1  }
0x9e: {  	s9 =	simm.s32 $_scs_section_size  }
0x9f: {  	s10 =	simm.s32 $_size__tile_overlayer_lowered;
	s11 =	simm.s32 $_tile_overlayer_lowered  }
0xa0: {  	s22 =	simm.s32 $0x1BFF;
	s21 =	sshll.u32 s11, $0x1;
	s8 =	sadd.s32 s9, s19  }
0xa1: {  	s12 =	simm.s32 $0x0;
	s20 =	sshll.u32 s10, $0x1;
	s10 =	sadd.s32 s21, s8  }
0xa2: {  	[timem:s12], [sflag:s22] =	dma.local [hbm:s10], s20  }
0xa3: {  	_ =	swait.ge [sflag:s22], s20  }
0xa4: {  	s9 =	ssub.s32 $0x0, s20;
	[sflag:s22] =	ssyncset.done $0x0  }
0xa5: {  	[sflag:s22] =	ssyncadd.s32 s9;
	_ =	sdelay $0x1  }
0xa6: {  	s23 =	simm.s32 $0x1B8B  }
0xa7: {  	_ =	swait.ge [sflag:s23], $0x1  }
0xa8: {  	[sflag:s23] =	ssyncset.done $0x0  }
0xa9: {  	s25 =	simm.s32 $0x1B8E;
	s24 =	sld [smem:$0x3FFE];
	[sflag:s23] =	ssyncadd.s32 $0xFFFFFFFF  }
0xaa: {  	s26 =	simm.s32 $execute0_lowered;
	[smem:$0x3FD2] =	sst s25  }
0xab: {  	s10 =	sshll.u32 s26, $0x1;
	_ =	strace $0x80000046;
	[dreg:$0x1] =	wrdreg $0xFFFFFFFF  }
0xac: {  	s28 =	simm.s32 $_size_execute0_lowered;
	s8 =	sadd.s32 s8, s10;
	[dreg:$0x0] =	wrdreg $0x0  }
0xad: {  	s10 =	sshll.u32 s28, $0x1;
	[dreg:$0x2] =	wrdreg s8  }
0xae: {  	[dreg:$0x3] =	wrdreg s10  }
0xaf: {  	[dreg:$0x4] =	wrdreg $0xC0  }
0xb0: {  	_ =	task [dreg:s12], $0x5FFFF  }
0xb1: {  	[dreg:$0x1] =	wrdreg $0xFFFFFFFF  }
0xb2: {  	[dreg:$0x0] =	wrdreg $0x60  }
0xb3: {  	[dreg:$0x2] =	wrdreg s2  }
0xb4: {  	[dreg:$0x3] =	wrdreg s18  }
0xb5: {  	[dreg:$0x4] =	wrdreg s4  }
0xb6: {  	[dreg:$0x5] =	wrdreg s5  }
0xb7: {  	[dreg:$0x6] =	wrdreg s6  }
0xb8: {  	[dreg:$0x7] =	wrdreg s24  }
0xb9: {  	[dreg:$0x8] =	wrdreg s7  }
0xba: {  	[dreg:$0x9] =	wrdreg $0x94800  }
0xbb: {  	[dreg:$0xa] =	wrdreg $0x9  }
0xbc: {  	_ =	task.clear_ibuf [dreg:s12], $0xBFFFF;
	_ =	strace $0x90000046  }
0xbd: {  	s29 =	simm.s32 $0x9;
	_ =	strace $0x80000048  }
0xbe: {  	_ =	swait.ge [sflag:s29], $0x1  }
0xbf: {  	[sflag:s29] =	ssyncadd.s32 $0xFFFFFFFF  }
0xc0: {  	_ =	strace $0x90000048  }
0xc1: {  	_ =	sfence  }
0xc2: {  	s30 =	sld [smem:$0x0];
	_ =	sdelay $0x2  }
0xc3: {  	s31 =	sshll.u32 s1, $0xD;
	s1 =	sshrl.u32 s1, $0x2  }
0xc4: {  	s3 =	sand.u32 $0x4000, s31;
	s1 =	sadd.s32 s1, s30  }
0xc5: {  	s0 =	sor.u32 s3, s0;
	s1 =	sshll.u32 s1, $0x11  }
0xc6: {  	s0 =	sor.u32 s1, s0  }
0xc7: {  	s0 =	sadd.s32 $0x8F2B, s0  }
0xc8: {  	[sflag:s0] =	ssyncadd.remote.s32 $0x1  }
0xc9: {  	_ =	sfence.sel $0xFFFF  }
0xca: {  	[dreg:$0x0] =	wrdreg $0xFFFFFFFF;
	(pc) =	sbr.abs _section_cstart, $3  }
0xcb: {  	[dreg:$0x1] =	wrdreg $0xFFFFFFFF  }
0xcc: {  	_ =	task.clear_ibuf [dreg:s12], $0x2FFFF;
	_ =	strace $0x9FFFFFFF  }
0xcd: {  	(tm) =	ssettm $0x7FFFFFFF  }
tec
execute0_lowered:
.L_overlay_start_1:
0x0: {  	(tag) =	ssettag $0x1  }
0x1: {  	s2 =	rddreg [dreg:$0x0]  }
0x2: {  	s3 =	rddreg [dreg:$0x1]  }
0x3: {  	s0 =	srdreg.scid;
	s20 =	stileid.u32  }
0x4: {  	s4 =	rddreg [dreg:$0x2];
	s0 =	sand.u32 $0x1, s0;
	s7 =	smul.u32 $0xC800, s20  }
0x5: {  	s5 =	rddreg [dreg:$0x3];
	s8 =	smul.u32 $0x6400, s0  }
0x6: {  	s6 =	rddreg [dreg:$0x6];
	s1 =	simm.s32 $0x0;
	s10 =	sshll.u32 s20, $0x1  }
0x7: {  	s9 =	ssub.s32 $0x2, s0;
	s7 =	sadd.s32 s8, s7;
	s8 =	sor.u32 s0, s10  }
0x8: {  	[smem:$0x7FF] =	sst s1;
	s11 =	sshrl.u32 s9, $0x1;
	s10 =	sshll.u32 s8, $0x6  }
0x9: {  	s0 =	ssub.s32 s9, s11;
	s25 =	sshll.u32 s8, $0xC;
	s12 =	sadd.s32 s2, s10  }
0xa: {  	s24 =	sshll.u32 s8, $0x9;
	s11 =	sadd.s32 s6, s25;
	[dreg:$0x9] =	wrdreg s12  }
0xb: {  	s18 =	sadd.s32 s3, s10;
	[dreg:$0xa] =	wrdreg s11;
	s11 =	sor.u32 $0x80, s24  }
0xc: {  	s23 =	sadd.s32 s4, s10;
	[dreg:$0x11] =	wrdreg s18;
	s12 =	sshrl.u32 s11, $0x3  }
0xd: {  	[dreg:$0x15] =	wrdreg s23;
	s13 =	sshll.u32 s11, $0x3;
	s15 =	sadd.s32 s2, s12  }
0xe: {  	s14 =	sor.u32 $0x100, s24;
	s13 =	sadd.s32 s6, s13;
	[dreg:$0xb] =	wrdreg s15  }
0xf: {  	s9 =	sor.u32 $0x180, s24;
	s19 =	sadd.s32 s3, s12;
	[dreg:$0xc] =	wrdreg s13  }
0x10: {  	s16 =	sshll.u32 s14, $0x3;
	s24 =	sadd.s32 s4, s12;
	[dreg:$0x12] =	wrdreg s19  }
0x11: {  	s13 =	sshrl.u32 s14, $0x3;
	s15 =	sadd.s32 s6, s16;
	[dreg:$0x16] =	wrdreg s24  }
0x12: {  	s16 =	sshll.u32 s9, $0x3;
	s26 =	sadd.s32 s2, s13;
	[dreg:$0xe] =	wrdreg s15  }
0x13: {  	s17 =	sadd.s32 s6, s16;
	[dreg:$0xd] =	wrdreg s26  }
0x14: {  	s21 =	sadd.s32 s3, s13;
	[dreg:$0x10] =	wrdreg s17  }
0x15: {  	s25 =	sadd.s32 s4, s13;
	[dreg:$0x13] =	wrdreg s21  }
0x16: {  	s6 =	sadd.s32 s5, s13;
	[dreg:$0x17] =	wrdreg s25  }
0x17: {  	s15 =	sshrl.u32 s9, $0x3;
	[dreg:$0x1b] =	wrdreg s6  }
0x18: {  	s2 =	sadd.s32 s2, s15;
	s17 =	rddreg [dreg:$0x4]  }
0x19: {  	s22 =	sadd.s32 s3, s15;
	[dreg:$0xf] =	wrdreg s2  }
0x1a: {  	s26 =	sadd.s32 s4, s15;
	[dreg:$0x14] =	wrdreg s22  }
0x1b: {  	s3 =	sadd.s32 s5, s10;
	[dreg:$0x18] =	wrdreg s26  }
0x1c: {  	s31 =	simm.s32 $0x1;
	s4 =	sadd.s32 s5, s12;
	[dreg:$0x19] =	wrdreg s3  }
0x1d: {  	s28 =	smax.u32 s0, $0x1;
	s16 =	sadd.s32 s5, s15;
	[dreg:$0x1a] =	wrdreg s4  }
0x1e: {  	s0 =	simm.s32 $0x2080;
	s23 =	sshrl.u32 s7, $0x3;
	[dreg:$0x1c] =	wrdreg s16  }
0x1f: {  	s7 =	sshll.u32 s14, $0x2;
	s5 =	sshll.u32 s8, $0xB;
	s3 =	rddreg [dreg:$0x5]  }
0x20: {  	s6 =	sshll.u32 s11, $0x2;
	s18 =	sadd.s32 s17, s10;
	s26 =	rddreg [dreg:$0x7]  }
0x21: {  	s11 =	sshll.u32 s9, $0x2;
	s19 =	sadd.s32 s17, s12;
	[dreg:$0x1d] =	wrdreg s18  }
0x22: {  	s21 =	sadd.s32 s17, s13;
	s22 =	smul.u32 $0xC80, s20;
	[dreg:$0x1e] =	wrdreg s19  }
0x23: {  	s2 =	sadd.s32 s17, s15;
	[dreg:$0x1f] =	wrdreg s21;
	s24 =	sadd.s32 $0x97000, s3  }
0x24: {  	[smem:$0x7F0] =	sst s2;
	s2 =	sadd.s32 s23, s3;
	s12 =	sadd.s32 s24, s5  }
0x25: {  	_ =	strace $0x80000047;
	s13 =	sadd.s32 s24, s6;
	[smem:$0x7F1] =	sst s12  }
0x26: {  	s25 =	sadd.s32 $0x87000, s3;
	s14 =	sadd.s32 s24, s7;
	[smem:$0x7F2] =	sst s13  }
0x27: {  	s19 =	sadd.s32 $0x77000, s3;
	s8 =	sadd.s32 s24, s11;
	[smem:$0x7F3] =	sst s14  }
0x28: {  	s21 =	sadd.s32 $0x67000, s3;
	s15 =	sadd.s32 s25, s5;
	[smem:$0x7F4] =	sst s8  }
0x29: {  	s4 =	sadd.s32 s22, s3;
	s16 =	sadd.s32 s25, s6;
	[smem:$0x7F5] =	sst s15  }
0x2a: {  	s17 =	sadd.s32 s25, s7;
	s18 =	sadd.s32 s25, s11;
	[smem:$0x7F6] =	sst s16  }
0x2b: {  	s22 =	sadd.s32 s19, s5;
	s23 =	sadd.s32 s19, s6;
	[smem:$0x7F7] =	sst s17  }
0x2c: {  	s24 =	sadd.s32 s19, s7;
	s6 =	sadd.s32 s21, s6;
	[smem:$0x7F8] =	sst s18  }
0x2d: {  	s10 =	sadd.s32 s21, s7;
	s25 =	sshll.u32 s20, $0xE;
	[smem:$0x7F9] =	sst s22  }
0x2e: {  	s20 =	sadd.s32 $0x2B4000, s3;
	s29 =	sadd.s32 $0x21000, s2;
	[smem:$0x7FA] =	sst s23  }
0x2f: {  	s30 =	sadd.s32 $0x8000, s2;
	s2 =	simm.s32 $0x0;
	[smem:$0x7FB] =	sst s24  }
0x30: {  	s8 =	sadd.s32 s19, s11;
	[smem:$0x7FD] =	sst s6;
	s12 =	sadd.s32 $0xF4A600, s3  }
0x31: {  	s11 =	sadd.s32 s21, s11;
	s14 =	sadd.s32 $0x252400, s3;
	s15 =	sadd.s32 $0x1F0800, s3  }
0x32: {  	s13 =	sadd.s32 s21, s5;
	s16 =	sadd.s32 $0x18EC00, s3;
	s17 =	sadd.s32 $0x377800, s3  }
0x33: {  	s5 =	sadd.s32 s5, s3;
	s18 =	sadd.s32 $0x46800, s3;
	s19 =	sadd.s32 $0x315C00, s3  }
0x34: {  	s21 =	sadd.s32 $0x3A000, s4;
	s22 =	sadd.s32 s25, s26;
	s24 =	simm.s32 $0x80  }
0x35: {  	[smem:$0x7FC] =	sst s8;
	s23 =	sadd.s32 $0x57000, s5;
	s25 =	sadd.s32 $0x47000, s5  }
.LBB2_1:
0x36: {  	s3 =	simm.s32 $0x3080  }
0x37: {  	[tilespmem:s3], [sflag:$0x1] =	stream.linear.gather [hbm4b:s21+s1], $0x6400, $0x38;
	[tilespmem:$0xD480] =	vst v63  }
0x38: {  	_ =	swait.ge [sflag:s31], $0x6400  }
0x39: {  	[sflag:s31] =	ssyncset.done $0x0  }
0x3a: {  	s4 =	rddreg [dreg:$0x9];
	[sflag:s31] =	ssyncadd.s32 $0xFFFF9C00  }
0x3b: {  	[tilespmem:s1], [sflag:$0x1] =	stream.linear.gather [hbm4b:s4+s1], $0x80, $0x38;
	[tilespmem:$0xD480] =	vst v63  }
0x3c: {  	_ =	swait.ge [sflag:s31], $0x80  }
0x3d: {  	[sflag:s31] =	ssyncset.done $0x0  }
0x3e: {  	[sflag:s31] =	ssyncadd.s32 $0xFFFFFF80  }
0x3f: {  	[tilespmem:s24], [sflag:$0x1] =	stream.indirect.gather [hbm4b:s12+s24], $0x40, s1, s24, $0xb8;
	[tilespmem:$0xD480] =	vst v63  }
0x40: {  	_ =	swait.ge [sflag:s31], $0x2000  }
0x41: {  	[sflag:s31] =	ssyncset.done $0x0  }
0x42: {  	s8 =	rddreg [dreg:$0xa];
	[sflag:s31] =	ssyncadd.s32 $0xFFFFE000  }
0x43: {  	[hbm4b:s8+s1] =	stream.linear.scatter [tilespmem:s24], [sflag:$0x1], $0x2000, $0x38;
	[tilespmem:$0xD480] =	vst v63  }
0x44: {  	_ =	swait.ge [sflag:s31], $0x2000  }
0x45: {  	[sflag:s31] =	ssyncset.done $0x0  }
0x46: {  	s9 =	rddreg [dreg:$0xb];
	[sflag:s31] =	ssyncadd.s32 $0xFFFFE000  }
0x47: {  	[tilespmem:s1], [sflag:$0x1] =	stream.linear.gather [hbm4b:s9+s1], $0x80, $0x38;
	[tilespmem:$0xD480] =	vst v63  }
0x48: {  	_ =	swait.ge [sflag:s31], $0x80  }
0x49: {  	[sflag:s31] =	ssyncset.done $0x0  }
0x4a: {  	[sflag:s31] =	ssyncadd.s32 $0xFFFFFF80  }
0x4b: {  	[tilespmem:s24], [sflag:$0x1] =	stream.indirect.gather [hbm4b:s12+s24], $0x40, s1, s24, $0xb8;
	[tilespmem:$0xD480] =	vst v63  }
0x4c: {  	_ =	swait.ge [sflag:s31], $0x2000  }
0x4d: {  	[sflag:s31] =	ssyncset.done $0x0  }
0x4e: {  	s5 =	rddreg [dreg:$0xc];
	[sflag:s31] =	ssyncadd.s32 $0xFFFFE000  }
0x4f: {  	[hbm4b:s5+s1] =	stream.linear.scatter [tilespmem:s24], [sflag:$0x1], $0x2000, $0x38;
	[tilespmem:$0xD480] =	vst v63  }
0x50: {  	_ =	swait.ge [sflag:s31], $0x2000  }
0x51: {  	[sflag:s31] =	ssyncset.done $0x0  }
0x52: {  	s6 =	rddreg [dreg:$0xd];
	[sflag:s31] =	ssyncadd.s32 $0xFFFFE000  }
0x53: {  	[tilespmem:s1], [sflag:$0x1] =	stream.linear.gather [hbm4b:s6+s1], $0x80, $0x38;
	[tilespmem:$0xD480] =	vst v63  }
0x54: {  	_ =	swait.ge [sflag:s31], $0x80  }
0x55: {  	[sflag:s31] =	ssyncset.done $0x0  }
0x56: {  	[sflag:s31] =	ssyncadd.s32 $0xFFFFFF80  }
0x57: {  	[tilespmem:s24], [sflag:$0x1] =	stream.indirect.gather [hbm4b:s12+s24], $0x40, s1, s24, $0xb8;
	[tilespmem:$0xD480] =	vst v63  }
0x58: {  	_ =	swait.ge [sflag:s31], $0x2000  }
0x59: {  	[sflag:s31] =	ssyncset.done $0x0  }
0x5a: {  	s7 =	rddreg [dreg:$0xe];
	[sflag:s31] =	ssyncadd.s32 $0xFFFFE000  }
0x5b: {  	[hbm4b:s7+s1] =	stream.linear.scatter [tilespmem:s24], [sflag:$0x1], $0x2000, $0x38;
	[tilespmem:$0xD480] =	vst v63  }
0x5c: {  	_ =	swait.ge [sflag:s31], $0x2000  }
0x5d: {  	[sflag:s31] =	ssyncset.done $0x0  }
0x5e: {  	s8 =	rddreg [dreg:$0xf];
	[sflag:s31] =	ssyncadd.s32 $0xFFFFE000  }
0x5f: {  	[tilespmem:s1], [sflag:$0x1] =	stream.linear.gather [hbm4b:s8+s1], $0x80, $0x38;
	[tilespmem:$0xD480] =	vst v63  }
0x60: {  	_ =	swait.ge [sflag:s31], $0x80  }
0x61: {  	[sflag:s31] =	ssyncset.done $0x0  }
0x62: {  	[sflag:s31] =	ssyncadd.s32 $0xFFFFFF80  }
0x63: {  	[tilespmem:s24], [sflag:$0x1] =	stream.indirect.gather [hbm4b:s12+s24], $0x40, s1, s24, $0xb8;
	[tilespmem:$0xD480] =	vst v63  }
0x64: {  	_ =	swait.ge [sflag:s31], $0x2000  }
0x65: {  	[sflag:s31] =	ssyncset.done $0x0  }
0x66: {  	s9 =	rddreg [dreg:$0x10];
	[sflag:s31] =	ssyncadd.s32 $0xFFFFE000  }
0x67: {  	[hbm4b:s9+s1] =	stream.linear.scatter [tilespmem:s24], [sflag:$0x1], $0x2000, $0x38;
	[tilespmem:$0xD480] =	vst v63  }
0x68: {  	_ =	swait.ge [sflag:s31], $0x2000  }
0x69: {  	[sflag:s31] =	ssyncset.done $0x0  }
0x6a: {  	s5 =	rddreg [dreg:$0x11];
	[sflag:s31] =	ssyncadd.s32 $0xFFFFE000  }
0x6b: {  	[tilespmem:s1], [sflag:$0x1] =	stream.linear.gather [hbm4b:s5+s1], $0x80, $0x38;
	[tilespmem:$0xD480] =	vst v63  }
0x6c: {  	_ =	swait.ge [sflag:s31], $0x80  }
0x6d: {  	[sflag:s31] =	ssyncset.done $0x0  }
0x6e: {  	[sflag:s31] =	ssyncadd.s32 $0xFFFFFF80  }
0x6f: {  	[tilespmem:s0], [sflag:$0x1] =	stream.indirect.gather [hbm4b:s14+s24], $0x20, s1, s24, $0xb8;
	[tilespmem:$0xD480] =	vst v63  }
0x70: {  	_ =	swait.ge [sflag:s31], $0x1000  }
0x71: {  	s6 =	sld [smem:$0x7F1]  }
0x72: {  	[sflag:s31] =	ssyncset.done $0x0  }
0x73: {  	[sflag:s31] =	ssyncadd.s32 $0xFFFFF000  }
0x74: {  	[hbm4b:s6+s1] =	stream.linear.scatter [tilespmem:s0], [sflag:$0x1], $0x1000, $0x38;
	[tilespmem:$0xD480] =	vst v63  }
0x75: {  	_ =	swait.ge [sflag:s31], $0x1000  }
0x76: {  	[sflag:s31] =	ssyncset.done $0x0  }
0x77: {  	s7 =	rddreg [dreg:$0x12];
	[sflag:s31] =	ssyncadd.s32 $0xFFFFF000  }
0x78: {  	[tilespmem:s1], [sflag:$0x1] =	stream.linear.gather [hbm4b:s7+s1], $0x80, $0x38;
	[tilespmem:$0xD480] =	vst v63  }
0x79: {  	_ =	swait.ge [sflag:s31], $0x80  }
0x7a: {  	[sflag:s31] =	ssyncset.done $0x0  }
0x7b: {  	[sflag:s31] =	ssyncadd.s32 $0xFFFFFF80  }
0x7c: {  	[tilespmem:s0], [sflag:$0x1] =	stream.indirect.gather [hbm4b:s14+s24], $0x20, s1, s24, $0xb8;
	[tilespmem:$0xD480] =	vst v63  }
0x7d: {  	_ =	swait.ge [sflag:s31], $0x1000  }
0x7e: {  	s8 =	sld [smem:$0x7F2]  }
0x7f: {  	[sflag:s31] =	ssyncset.done $0x0  }
0x80: {  	[sflag:s31] =	ssyncadd.s32 $0xFFFFF000  }
0x81: {  	[hbm4b:s8+s1] =	stream.linear.scatter [tilespmem:s0], [sflag:$0x1], $0x1000, $0x38;
	[tilespmem:$0xD480] =	vst v63  }
0x82: {  	_ =	swait.ge [sflag:s31], $0x1000  }
0x83: {  	[sflag:s31] =	ssyncset.done $0x0  }
0x84: {  	s9 =	rddreg [dreg:$0x13];
	[sflag:s31] =	ssyncadd.s32 $0xFFFFF000  }
0x85: {  	[tilespmem:s1], [sflag:$0x1] =	stream.linear.gather [hbm4b:s9+s1], $0x80, $0x38;
	[tilespmem:$0xD480] =	vst v63  }
0x86: {  	_ =	swait.ge [sflag:s31], $0x80  }
0x87: {  	[sflag:s31] =	ssyncset.done $0x0  }
0x88: {  	[sflag:s31] =	ssyncadd.s32 $0xFFFFFF80  }
0x89: {  	[tilespmem:s0], [sflag:$0x1] =	stream.indirect.gather [hbm4b:s14+s24], $0x20, s1, s24, $0xb8;
	[tilespmem:$0xD480] =	vst v63  }
0x8a: {  	_ =	swait.ge [sflag:s31], $0x1000  }
0x8b: {  	s5 =	sld [smem:$0x7F3]  }
0x8c: {  	[sflag:s31] =	ssyncset.done $0x0  }
0x8d: {  	[sflag:s31] =	ssyncadd.s32 $0xFFFFF000  }
0x8e: {  	[hbm4b:s5+s1] =	stream.linear.scatter [tilespmem:s0], [sflag:$0x1], $0x1000, $0x38;
	[tilespmem:$0xD480] =	vst v63  }
0x8f: {  	_ =	swait.ge [sflag:s31], $0x1000  }
0x90: {  	[sflag:s31] =	ssyncset.done $0x0  }
0x91: {  	s6 =	rddreg [dreg:$0x14];
	[sflag:s31] =	ssyncadd.s32 $0xFFFFF000  }
0x92: {  	[tilespmem:s1], [sflag:$0x1] =	stream.linear.gather [hbm4b:s6+s1], $0x80, $0x38;
	[tilespmem:$0xD480] =	vst v63  }
0x93: {  	_ =	swait.ge [sflag:s31], $0x80  }
0x94: {  	[sflag:s31] =	ssyncset.done $0x0  }
0x95: {  	[sflag:s31] =	ssyncadd.s32 $0xFFFFFF80  }
0x96: {  	[tilespmem:s0], [sflag:$0x1] =	stream.indirect.gather [hbm4b:s14+s24], $0x20, s1, s24, $0xb8;
	[tilespmem:$0xD480] =	vst v63  }
0x97: {  	_ =	swait.ge [sflag:s31], $0x1000  }
0x98: {  	s7 =	sld [smem:$0x7F4]  }
0x99: {  	[sflag:s31] =	ssyncset.done $0x0  }
0x9a: {  	[sflag:s31] =	ssyncadd.s32 $0xFFFFF000  }
0x9b: {  	[hbm4b:s7+s1] =	stream.linear.scatter [tilespmem:s0], [sflag:$0x1], $0x1000, $0x38;
	[tilespmem:$0xD480] =	vst v63  }
0x9c: {  	_ =	swait.ge [sflag:s31], $0x1000  }
0x9d: {  	[sflag:s31] =	ssyncset.done $0x0  }
0x9e: {  	s8 =	rddreg [dreg:$0x15];
	[sflag:s31] =	ssyncadd.s32 $0xFFFFF000  }
0x9f: {  	[tilespmem:s1], [sflag:$0x1] =	stream.linear.gather [hbm4b:s8+s1], $0x80, $0x38;
	[tilespmem:$0xD480] =	vst v63  }
0xa0: {  	_ =	swait.ge [sflag:s31], $0x80  }
0xa1: {  	[sflag:s31] =	ssyncset.done $0x0  }
0xa2: {  	[sflag:s31] =	ssyncadd.s32 $0xFFFFFF80  }
0xa3: {  	[tilespmem:s0], [sflag:$0x1] =	stream.indirect.gather [hbm4b:s15+s24], $0x20, s1, s24, $0xb8;
	[tilespmem:$0xD480] =	vst v63  }
0xa4: {  	_ =	swait.ge [sflag:s31], $0x1000  }
0xa5: {  	s9 =	sld [smem:$0x7F5]  }
0xa6: {  	[sflag:s31] =	ssyncset.done $0x0  }
0xa7: {  	[sflag:s31] =	ssyncadd.s32 $0xFFFFF000  }
0xa8: {  	[hbm4b:s9+s1] =	stream.linear.scatter [tilespmem:s0], [sflag:$0x1], $0x1000, $0x38;
	[tilespmem:$0xD480] =	vst v63  }
0xa9: {  	_ =	swait.ge [sflag:s31], $0x1000  }
0xaa: {  	[sflag:s31] =	ssyncset.done $0x0  }
0xab: {  	s5 =	rddreg [dreg:$0x16];
	[sflag:s31] =	ssyncadd.s32 $0xFFFFF000  }
0xac: {  	[tilespmem:s1], [sflag:$0x1] =	stream.linear.gather [hbm4b:s5+s1], $0x80, $0x38;
	[tilespmem:$0xD480] =	vst v63  }
0xad: {  	_ =	swait.ge [sflag:s31], $0x80  }
0xae: {  	[sflag:s31] =	ssyncset.done $0x0  }
0xaf: {  	[sflag:s31] =	ssyncadd.s32 $0xFFFFFF80  }
0xb0: {  	[tilespmem:s0], [sflag:$0x1] =	stream.indirect.gather [hbm4b:s15+s24], $0x20, s1, s24, $0xb8;
	[tilespmem:$0xD480] =	vst v63  }
0xb1: {  	_ =	swait.ge [sflag:s31], $0x1000  }
0xb2: {  	s6 =	sld [smem:$0x7F6]  }
0xb3: {  	[sflag:s31] =	ssyncset.done $0x0  }
0xb4: {  	[sflag:s31] =	ssyncadd.s32 $0xFFFFF000  }
0xb5: {  	[hbm4b:s6+s1] =	stream.linear.scatter [tilespmem:s0], [sflag:$0x1], $0x1000, $0x38;
	[tilespmem:$0xD480] =	vst v63  }
0xb6: {  	_ =	swait.ge [sflag:s31], $0x1000  }
0xb7: {  	[sflag:s31] =	ssyncset.done $0x0  }
0xb8: {  	s7 =	rddreg [dreg:$0x17];
	[sflag:s31] =	ssyncadd.s32 $0xFFFFF000  }
0xb9: {  	[tilespmem:s1], [sflag:$0x1] =	stream.linear.gather [hbm4b:s7+s1], $0x80, $0x38;
	[tilespmem:$0xD480] =	vst v63  }
0xba: {  	_ =	swait.ge [sflag:s31], $0x80  }
0xbb: {  	[sflag:s31] =	ssyncset.done $0x0  }
0xbc: {  	[sflag:s31] =	ssyncadd.s32 $0xFFFFFF80  }
0xbd: {  	[tilespmem:s0], [sflag:$0x1] =	stream.indirect.gather [hbm4b:s15+s24], $0x20, s1, s24, $0xb8;
	[tilespmem:$0xD480] =	vst v63  }
0xbe: {  	_ =	swait.ge [sflag:s31], $0x1000  }
0xbf: {  	s8 =	sld [smem:$0x7F7]  }
0xc0: {  	[sflag:s31] =	ssyncset.done $0x0  }
0xc1: {  	[sflag:s31] =	ssyncadd.s32 $0xFFFFF000  }
0xc2: {  	[hbm4b:s8+s1] =	stream.linear.scatter [tilespmem:s0], [sflag:$0x1], $0x1000, $0x38;
	[tilespmem:$0xD480] =	vst v63  }
0xc3: {  	_ =	swait.ge [sflag:s31], $0x1000  }
0xc4: {  	[sflag:s31] =	ssyncset.done $0x0  }
0xc5: {  	s9 =	rddreg [dreg:$0x18];
	[sflag:s31] =	ssyncadd.s32 $0xFFFFF000  }
0xc6: {  	[tilespmem:s1], [sflag:$0x1] =	stream.linear.gather [hbm4b:s9+s1], $0x80, $0x38;
	[tilespmem:$0xD480] =	vst v63  }
0xc7: {  	_ =	swait.ge [sflag:s31], $0x80  }
0xc8: {  	[sflag:s31] =	ssyncset.done $0x0  }
0xc9: {  	[sflag:s31] =	ssyncadd.s32 $0xFFFFFF80  }
0xca: {  	[tilespmem:s0], [sflag:$0x1] =	stream.indirect.gather [hbm4b:s15+s24], $0x20, s1, s24, $0xb8;
	[tilespmem:$0xD480] =	vst v63  }
0xcb: {  	_ =	swait.ge [sflag:s31], $0x1000  }
0xcc: {  	s5 =	sld [smem:$0x7F8]  }
0xcd: {  	[sflag:s31] =	ssyncset.done $0x0  }
0xce: {  	[sflag:s31] =	ssyncadd.s32 $0xFFFFF000  }
0xcf: {  	[hbm4b:s5+s1] =	stream.linear.scatter [tilespmem:s0], [sflag:$0x1], $0x1000, $0x38;
	[tilespmem:$0xD480] =	vst v63  }
0xd0: {  	_ =	swait.ge [sflag:s31], $0x1000  }
0xd1: {  	[sflag:s31] =	ssyncset.done $0x0  }
0xd2: {  	s6 =	rddreg [dreg:$0x19];
	[sflag:s31] =	ssyncadd.s32 $0xFFFFF000  }
0xd3: {  	[tilespmem:s1], [sflag:$0x1] =	stream.linear.gather [hbm4b:s6+s1], $0x80, $0x38;
	[tilespmem:$0xD480] =	vst v63  }
0xd4: {  	_ =	swait.ge [sflag:s31], $0x80  }
0xd5: {  	[sflag:s31] =	ssyncset.done $0x0  }
0xd6: {  	[sflag:s31] =	ssyncadd.s32 $0xFFFFFF80  }
0xd7: {  	[tilespmem:s0], [sflag:$0x1] =	stream.indirect.gather [hbm4b:s16+s24], $0x20, s1, s24, $0xb8;
	[tilespmem:$0xD480] =	vst v63  }
0xd8: {  	_ =	swait.ge [sflag:s31], $0x1000  }
0xd9: {  	s7 =	sld [smem:$0x7F9]  }
0xda: {  	[sflag:s31] =	ssyncset.done $0x0  }
0xdb: {  	[sflag:s31] =	ssyncadd.s32 $0xFFFFF000  }
0xdc: {  	[hbm4b:s7+s1] =	stream.linear.scatter [tilespmem:s0], [sflag:$0x1], $0x1000, $0x38;
	[tilespmem:$0xD480] =	vst v63  }
0xdd: {  	_ =	swait.ge [sflag:s31], $0x1000  }
0xde: {  	[sflag:s31] =	ssyncset.done $0x0  }
0xdf: {  	s8 =	rddreg [dreg:$0x1a];
	[sflag:s31] =	ssyncadd.s32 $0xFFFFF000  }
0xe0: {  	[tilespmem:s1], [sflag:$0x1] =	stream.linear.gather [hbm4b:s8+s1], $0x80, $0x38;
	[tilespmem:$0xD480] =	vst v63  }
0xe1: {  	_ =	swait.ge [sflag:s31], $0x80  }
0xe2: {  	[sflag:s31] =	ssyncset.done $0x0  }
0xe3: {  	[sflag:s31] =	ssyncadd.s32 $0xFFFFFF80  }
0xe4: {  	[tilespmem:s0], [sflag:$0x1] =	stream.indirect.gather [hbm4b:s16+s24], $0x20, s1, s24, $0xb8;
	[tilespmem:$0xD480] =	vst v63  }
0xe5: {  	_ =	swait.ge [sflag:s31], $0x1000  }
0xe6: {  	s9 =	sld [smem:$0x7FA]  }
0xe7: {  	[sflag:s31] =	ssyncset.done $0x0  }
0xe8: {  	[sflag:s31] =	ssyncadd.s32 $0xFFFFF000  }
0xe9: {  	[hbm4b:s9+s1] =	stream.linear.scatter [tilespmem:s0], [sflag:$0x1], $0x1000, $0x38;
	[tilespmem:$0xD480] =	vst v63  }
0xea: {  	_ =	swait.ge [sflag:s31], $0x1000  }
0xeb: {  	[sflag:s31] =	ssyncset.done $0x0  }
0xec: {  	s5 =	rddreg [dreg:$0x1b];
	[sflag:s31] =	ssyncadd.s32 $0xFFFFF000  }
0xed: {  	[tilespmem:s1], [sflag:$0x1] =	stream.linear.gather [hbm4b:s5+s1], $0x80, $0x38;
	[tilespmem:$0xD480] =	vst v63  }
0xee: {  	_ =	swait.ge [sflag:s31], $0x80  }
0xef: {  	[sflag:s31] =	ssyncset.done $0x0  }
0xf0: {  	[sflag:s31] =	ssyncadd.s32 $0xFFFFFF80  }
0xf1: {  	[tilespmem:s0], [sflag:$0x1] =	stream.indirect.gather [hbm4b:s16+s24], $0x20, s1, s24, $0xb8;
	[tilespmem:$0xD480] =	vst v63  }
0xf2: {  	_ =	swait.ge [sflag:s31], $0x1000  }
0xf3: {  	s6 =	sld [smem:$0x7FB]  }
0xf4: {  	[sflag:s31] =	ssyncset.done $0x0  }
0xf5: {  	[sflag:s31] =	ssyncadd.s32 $0xFFFFF000  }
0xf6: {  	[hbm4b:s6+s1] =	stream.linear.scatter [tilespmem:s0], [sflag:$0x1], $0x1000, $0x38;
	[tilespmem:$0xD480] =	vst v63  }
0xf7: {  	_ =	swait.ge [sflag:s31], $0x1000  }
0xf8: {  	[sflag:s31] =	ssyncset.done $0x0  }
0xf9: {  	s7 =	rddreg [dreg:$0x1c];
	[sflag:s31] =	ssyncadd.s32 $0xFFFFF000  }
0xfa: {  	[tilespmem:s1], [sflag:$0x1] =	stream.linear.gather [hbm4b:s7+s1], $0x80, $0x38;
	[tilespmem:$0xD480] =	vst v63  }
0xfb: {  	_ =	swait.ge [sflag:s31], $0x80  }
0xfc: {  	[sflag:s31] =	ssyncset.done $0x0  }
0xfd: {  	[sflag:s31] =	ssyncadd.s32 $0xFFFFFF80  }
0xfe: {  	[tilespmem:s0], [sflag:$0x1] =	stream.indirect.gather [hbm4b:s16+s24], $0x20, s1, s24, $0xb8;
	[tilespmem:$0xD480] =	vst v63  }
0xff: {  	_ =	swait.ge [sflag:s31], $0x1000  }
0x100: {  	s8 =	sld [smem:$0x7FC]  }
0x101: {  	[sflag:s31] =	ssyncset.done $0x0  }
0x102: {  	[sflag:s31] =	ssyncadd.s32 $0xFFFFF000  }
0x103: {  	[hbm4b:s8+s1] =	stream.linear.scatter [tilespmem:s0], [sflag:$0x1], $0x1000, $0x38;
	[tilespmem:$0xD480] =	vst v63  }
0x104: {  	_ =	swait.ge [sflag:s31], $0x1000  }
0x105: {  	[sflag:s31] =	ssyncset.done $0x0  }
0x106: {  	s9 =	rddreg [dreg:$0x1d];
	[sflag:s31] =	ssyncadd.s32 $0xFFFFF000  }
0x107: {  	[tilespmem:s1], [sflag:$0x1] =	stream.linear.gather [hbm4b:s9+s1], $0x80, $0x38;
	[tilespmem:$0xD480] =	vst v63  }
0x108: {  	_ =	swait.ge [sflag:s31], $0x80  }
0x109: {  	[sflag:s31] =	ssyncset.done $0x0  }
0x10a: {  	[sflag:s31] =	ssyncadd.s32 $0xFFFFFF80  }
0x10b: {  	[tilespmem:s0], [sflag:$0x1] =	stream.indirect.gather [hbm4b:s17+s24], $0x20, s1, s24, $0xb8;
	[tilespmem:$0xD480] =	vst v63  }
0x10c: {  	_ =	swait.ge [sflag:s31], $0x1000  }
0x10d: {  	[sflag:s31] =	ssyncset.done $0x0  }
0x10e: {  	[sflag:s31] =	ssyncadd.s32 $0xFFFFF000  }
0x10f: {  	[hbm4b:s13+s1] =	stream.linear.scatter [tilespmem:s0], [sflag:$0x1], $0x1000, $0x38;
	[tilespmem:$0xD480] =	vst v63  }
0x110: {  	_ =	swait.ge [sflag:s31], $0x1000  }
0x111: {  	[sflag:s31] =	ssyncset.done $0x0  }
0x112: {  	s5 =	rddreg [dreg:$0x1e];
	[sflag:s31] =	ssyncadd.s32 $0xFFFFF000  }
0x113: {  	[tilespmem:s1], [sflag:$0x1] =	stream.linear.gather [hbm4b:s5+s1], $0x80, $0x38;
	[tilespmem:$0xD480] =	vst v63  }
0x114: {  	_ =	swait.ge [sflag:s31], $0x80  }
0x115: {  	[sflag:s31] =	ssyncset.done $0x0  }
0x116: {  	[sflag:s31] =	ssyncadd.s32 $0xFFFFFF80  }
0x117: {  	[tilespmem:s0], [sflag:$0x1] =	stream.indirect.gather [hbm4b:s17+s24], $0x20, s1, s24, $0xb8;
	[tilespmem:$0xD480] =	vst v63  }
0x118: {  	_ =	swait.ge [sflag:s31], $0x1000  }
0x119: {  	s6 =	sld [smem:$0x7FD]  }
0x11a: {  	[sflag:s31] =	ssyncset.done $0x0  }
0x11b: {  	[sflag:s31] =	ssyncadd.s32 $0xFFFFF000  }
0x11c: {  	[hbm4b:s6+s1] =	stream.linear.scatter [tilespmem:s0], [sflag:$0x1], $0x1000, $0x38;
	[tilespmem:$0xD480] =	vst v63  }
0x11d: {  	_ =	swait.ge [sflag:s31], $0x1000  }
0x11e: {  	[sflag:s31] =	ssyncset.done $0x0  }
0x11f: {  	s7 =	rddreg [dreg:$0x1f];
	[sflag:s31] =	ssyncadd.s32 $0xFFFFF000  }
0x120: {  	[tilespmem:s1], [sflag:$0x1] =	stream.linear.gather [hbm4b:s7+s1], $0x80, $0x38;
	[tilespmem:$0xD480] =	vst v63  }
0x121: {  	_ =	swait.ge [sflag:s31], $0x80  }
0x122: {  	[sflag:s31] =	ssyncset.done $0x0  }
0x123: {  	[sflag:s31] =	ssyncadd.s32 $0xFFFFFF80  }
0x124: {  	[tilespmem:s0], [sflag:$0x1] =	stream.indirect.gather [hbm4b:s17+s24], $0x20, s1, s24, $0xb8;
	[tilespmem:$0xD480] =	vst v63  }
0x125: {  	_ =	swait.ge [sflag:s31], $0x1000  }
0x126: {  	[sflag:s31] =	ssyncset.done $0x0  }
0x127: {  	[sflag:s31] =	ssyncadd.s32 $0xFFFFF000  }
0x128: {  	[hbm4b:s10+s1] =	stream.linear.scatter [tilespmem:s0], [sflag:$0x1], $0x1000, $0x38;
	[tilespmem:$0xD480] =	vst v63  }
0x129: {  	_ =	swait.ge [sflag:s31], $0x1000  }
0x12a: {  	s8 =	sld [smem:$0x7F0]  }
0x12b: {  	[sflag:s31] =	ssyncset.done $0x0  }
0x12c: {  	[sflag:s31] =	ssyncadd.s32 $0xFFFFF000  }
0x12d: {  	[tilespmem:s1], [sflag:$0x1] =	stream.linear.gather [hbm4b:s8+s1], $0x80, $0x38;
	[tilespmem:$0xD480] =	vst v63  }
0x12e: {  	_ =	swait.ge [sflag:s31], $0x80  }
0x12f: {  	[sflag:s31] =	ssyncset.done $0x0  }
0x130: {  	[sflag:s31] =	ssyncadd.s32 $0xFFFFFF80  }
0x131: {  	[tilespmem:s0], [sflag:$0x1] =	stream.indirect.gather [hbm4b:s17+s24], $0x20, s1, s24, $0xb8;
	[tilespmem:$0xD480] =	vst v63  }
0x132: {  	_ =	swait.ge [sflag:s31], $0x1000  }
0x133: {  	[sflag:s31] =	ssyncset.done $0x0  }
0x134: {  	[sflag:s31] =	ssyncadd.s32 $0xFFFFF000  }
0x135: {  	[hbm4b:s11+s1] =	stream.linear.scatter [tilespmem:s0], [sflag:$0x1], $0x1000, $0x38;
	[tilespmem:$0xD480] =	vst v63  }
0x136: {  	s9 =	stileid.u32;
	_ =	swait.ge [sflag:s31], $0x1000  }
0x137: {  	s4 =	sshll.u32 s9, $0x6;
	[sflag:s31] =	ssyncset.done $0x0  }
0x138: {  	s4 =	sor.u32 $0x1C01, s4;
	s5 =	sshrl.u32 s22, $0x3;
	[sflag:s31] =	ssyncadd.s32 $0xFFFFF000  }
0x139: {  	[spmem:s5], [sflag:s4] =	dma.local [hbm:s18], $0x800  }
0x13a: {  	_ =	swait.ge [sflag:s31], $0x800  }
0x13b: {  	[sflag:s31] =	ssyncset.done $0x0  }
0x13c: {  	s6 =	sadd.s32 $0x0, s29;
	[sflag:s31] =	ssyncadd.s32 $0xFFFFF800  }
0x13d: {  	[tilespmem:s1], [sflag:$0x1] =	stream.linear.gather [hbm4b:s6+s1], $0x80, $0x38;
	[tilespmem:$0xD480] =	vst v63  }
0x13e: {  	_ =	swait.ge [sflag:s31], $0x80  }
0x13f: {  	[sflag:s31] =	ssyncset.done $0x0  }
0x140: {  	[sflag:s31] =	ssyncadd.s32 $0xFFFFFF80  }
0x141: {  	[tilespmem:s0], [sflag:$0x1] =	stream.indirect.gather [hbm4b:s19+s24], $0x20, s1, s24, $0xb8;
	[tilespmem:$0xD480] =	vst v63  }
0x142: {  	_ =	swait.ge [sflag:s31], $0x1000  }
0x143: {  	[sflag:s31] =	ssyncset.done $0x0  }
0x144: {  	[sflag:s31] =	ssyncadd.s32 $0xFFFFF000  }
0x145: {  	[spmem:s26] =	stream.indirect.scatter.add.f32 [tilespmem:s0], [sflag:$0x1], $0x20, s3, s24, $0xb8;
	[tilespmem:$0xD480] =	vst v63  }
0x146: {  	s7 =	simm.s32 $0x20;
	_ =	swait.ge [sflag:s31], $0x1000  }
0x147: {  	s6 =	simm.s32 $0x10;
	s3 =	simm.s32 $0x3100;
	[sflag:s31] =	ssyncset.done $0x0  }
.LBB2_2:
0x148: {  	s8 =	sadd.s32 s6, s29  }
0x149: {  	[sflag:s31] =	ssyncadd.s32 $0xFFFFF000;
	s6 =	smov.u32 s7;
	s9 =	sadd.s32 $0x10, s7  }
0x14a: {  	[tilespmem:s1], [sflag:$0x1] =	stream.linear.gather [hbm4b:s8+s1], $0x80, $0x38;
	[tilespmem:$0xD480] =	vst v63  }
0x14b: {  	p0 =	sne.s32 s7, $0xC70;
	_ =	swait.ge [sflag:s31], $0x80  }
0x14c: {  	[sflag:s31] =	ssyncset.done $0x0  }
0x14d: {  	[sflag:s31] =	ssyncadd.s32 $0xFFFFFF80  }
0x14e: {  	[tilespmem:s0], [sflag:$0x1] =	stream.indirect.gather [hbm4b:s19+s24], $0x20, s1, s24, $0xb8;
	[tilespmem:$0xD480] =	vst v63  }
0x14f: {  	_ =	swait.ge [sflag:s31], $0x1000  }
.Ltmp0:
0x150: {  	[sflag:s31] =	ssyncset.done $0x0;
	(pc) =	sbr.rel @p0 .LBB2_2-.Ltmp0, $4  }
0x151: {  	[sflag:s31] =	ssyncadd.s32 $0xFFFFF000  }
0x152: {  	[spmem:s26] =	stream.indirect.scatter.add.f32 [tilespmem:s0], [sflag:$0x1], $0x20, s3, s24, $0xb8;
	[tilespmem:$0xD480] =	vst v63  }
0x153: {  	_ =	swait.ge [sflag:s31], $0x1000  }
0x154: {  	s7 =	smov.u32 s9;
	s3 =	sadd.s32 $0x80, s3;
	[sflag:s31] =	ssyncset.done $0x0  }
0x155: {  	s6 =	sadd.s32 s6, s29;
	[sflag:s31] =	ssyncadd.s32 $0xFFFFF000  }
0x156: {  	[tilespmem:s1], [sflag:$0x1] =	stream.linear.gather [hbm4b:s6+s1], $0x80, $0x38;
	[tilespmem:$0xD480] =	vst v63  }
0x157: {  	_ =	swait.ge [sflag:s31], $0x80  }
0x158: {  	[sflag:s31] =	ssyncset.done $0x0  }
0x159: {  	[sflag:s31] =	ssyncadd.s32 $0xFFFFFF80  }
0x15a: {  	[tilespmem:s0], [sflag:$0x1] =	stream.indirect.gather [hbm4b:s19+s24], $0x20, s1, s24, $0xb8;
	[tilespmem:$0xD480] =	vst v63  }
0x15b: {  	_ =	swait.ge [sflag:s31], $0x1000  }
0x15c: {  	[sflag:s31] =	ssyncset.done $0x0  }
0x15d: {  	[sflag:s31] =	ssyncadd.s32 $0xFFFFF000  }
0x15e: {  	[spmem:s26] =	stream.indirect.scatter.add.f32 [tilespmem:s0], [sflag:$0x1], $0x20, s3, s24, $0xb8;
	[tilespmem:$0xD480] =	vst v63  }
0x15f: {  	_ =	swait.ge [sflag:s31], $0x1000  }
0x160: {  	[sflag:s31] =	ssyncset.done $0x0  }
0x161: {  	[sflag:s31] =	ssyncadd.s32 $0xFFFFF000  }
0x162: {  	[hbm:s23], [sflag:s4] =	dma.local [spmem:s5], $0x800  }
0x163: {  	_ =	swait.ge [sflag:s31], $0x800  }
0x164: {  	[sflag:s31] =	ssyncset.done $0x0  }
0x165: {  	[sflag:s31] =	ssyncadd.s32 $0xFFFFF800  }
0x166: {  	[spmem:s5], [sflag:s4] =	dma.local [hbm:s18], $0x800  }
0x167: {  	_ =	swait.ge [sflag:s31], $0x800  }
0x168: {  	[sflag:s31] =	ssyncset.done $0x0  }
0x169: {  	s8 =	sadd.s32 $0x0, s30;
	[sflag:s31] =	ssyncadd.s32 $0xFFFFF800  }
0x16a: {  	[tilespmem:s1], [sflag:$0x1] =	stream.linear.gather [hbm4b:s8+s1], $0x80, $0x38;
	[tilespmem:$0xD480] =	vst v63  }
0x16b: {  	_ =	swait.ge [sflag:s31], $0x80  }
0x16c: {  	[sflag:s31] =	ssyncset.done $0x0  }
0x16d: {  	[sflag:s31] =	ssyncadd.s32 $0xFFFFFF80  }
0x16e: {  	[tilespmem:s0], [sflag:$0x1] =	stream.indirect.gather [hbm4b:s20+s24], $0x20, s1, s24, $0xb8;
	[tilespmem:$0xD480] =	vst v63  }
0x16f: {  	_ =	swait.ge [sflag:s31], $0x1000  }
0x170: {  	[sflag:s31] =	ssyncset.done $0x0  }
0x171: {  	s9 =	simm.s32 $0x3080;
	[sflag:s31] =	ssyncadd.s32 $0xFFFFF000  }
0x172: {  	[spmem:s26] =	stream.indirect.scatter.add.f32 [tilespmem:s0], [sflag:$0x1], $0x20, s9, s24, $0xb8;
	[tilespmem:$0xD480] =	vst v63  }
0x173: {  	s7 =	simm.s32 $0x20;
	_ =	swait.ge [sflag:s31], $0x1000  }
0x174: {  	s6 =	simm.s32 $0x10;
	s3 =	simm.s32 $0x3100;
	[sflag:s31] =	ssyncset.done $0x0  }
.LBB2_4:
0x175: {  	s8 =	sadd.s32 s6, s30  }
0x176: {  	[sflag:s31] =	ssyncadd.s32 $0xFFFFF000;
	s6 =	smov.u32 s7;
	s9 =	sadd.s32 $0x10, s7  }
0x177: {  	[tilespmem:s1], [sflag:$0x1] =	stream.linear.gather [hbm4b:s8+s1], $0x80, $0x38;
	[tilespmem:$0xD480] =	vst v63  }
0x178: {  	p0 =	sne.s32 s7, $0xC70;
	_ =	swait.ge [sflag:s31], $0x80  }
0x179: {  	[sflag:s31] =	ssyncset.done $0x0  }
0x17a: {  	[sflag:s31] =	ssyncadd.s32 $0xFFFFFF80  }
0x17b: {  	[tilespmem:s0], [sflag:$0x1] =	stream.indirect.gather [hbm4b:s20+s24], $0x20, s1, s24, $0xb8;
	[tilespmem:$0xD480] =	vst v63  }
0x17c: {  	_ =	swait.ge [sflag:s31], $0x1000  }
.Ltmp1:
0x17d: {  	[sflag:s31] =	ssyncset.done $0x0;
	(pc) =	sbr.rel @p0 .LBB2_4-.Ltmp1, $4  }
0x17e: {  	[sflag:s31] =	ssyncadd.s32 $0xFFFFF000  }
0x17f: {  	[spmem:s26] =	stream.indirect.scatter.add.f32 [tilespmem:s0], [sflag:$0x1], $0x20, s3, s24, $0xb8;
	[tilespmem:$0xD480] =	vst v63  }
0x180: {  	_ =	swait.ge [sflag:s31], $0x1000  }
0x181: {  	s7 =	smov.u32 s9;
	s3 =	sadd.s32 $0x80, s3;
	[sflag:s31] =	ssyncset.done $0x0  }
0x182: {  	s6 =	sadd.s32 s6, s30;
	[sflag:s31] =	ssyncadd.s32 $0xFFFFF000  }
0x183: {  	[tilespmem:s1], [sflag:$0x1] =	stream.linear.gather [hbm4b:s6+s1], $0x80, $0x38;
	[tilespmem:$0xD480] =	vst v63  }
0x184: {  	_ =	swait.ge [sflag:s31], $0x80  }
0x185: {  	[sflag:s31] =	ssyncset.done $0x0  }
0x186: {  	[sflag:s31] =	ssyncadd.s32 $0xFFFFFF80  }
0x187: {  	[tilespmem:s0], [sflag:$0x1] =	stream.indirect.gather [hbm4b:s20+s24], $0x20, s1, s24, $0xb8;
	[tilespmem:$0xD480] =	vst v63  }
0x188: {  	_ =	swait.ge [sflag:s31], $0x1000  }
0x189: {  	[sflag:s31] =	ssyncset.done $0x0  }
0x18a: {  	[sflag:s31] =	ssyncadd.s32 $0xFFFFF000  }
0x18b: {  	[spmem:s26] =	stream.indirect.scatter.add.f32 [tilespmem:s0], [sflag:$0x1], $0x20, s3, s24, $0xb8;
	[tilespmem:$0xD480] =	vst v63  }
0x18c: {  	s2 =	sadd.s32 $0x1, s2;
	_ =	swait.ge [sflag:s31], $0x1000  }
0x18d: {  	p0 =	sne.s32 s2, s28;
	[sflag:s31] =	ssyncset.done $0x0  }
.Ltmp2:
0x18e: {  	[sflag:s31] =	ssyncadd.s32 $0xFFFFF000;
	(pc) =	sbr.rel @p0 .LBB2_1-.Ltmp2, $4  }
0x18f: {  	[hbm:s25], [sflag:s4] =	dma.local [spmem:s5], $0x800  }
0x190: {  	_ =	swait.ge [sflag:s31], $0x800  }
0x191: {  	[sflag:s31] =	ssyncset.done $0x0  }
0x192: {  	[sflag:s31] =	ssyncadd.s32 $0xFFFFF800  }
0x193: {  	_ =	sfence.sel $0x180000  }
0x194: {  	[bflag:$0x0] =	sbarrier.arrive $0xFFFF  }
0x195: {  	_ =	strace $0x90000047  }
0x196: {  	s0 =	stileid.u32;
	[bflag:$0x2] =	sbarrier.arrive $0xFFFF  }
0x197: {  	p0 =	sne.s32 s0, $0x0;
	s0 =	rddreg [dreg:$0x8]  }
0x198: {  	s0 =	sadd.s32 @!p0 $0x100000, s0  }
0x199: {  	[sflag:s0] =	ssyncadd.tile.s32 @!p0 $0x1;
	_ =	shalt  }
.Lfunc_end2:
_tile_overlayer_lowered:
.L_overlay_start_2:
0x19a: {  	(tag) =	ssettag $0x2  }
0x19b: {  	s0 =	rddreg [dreg:$0x0];
	s2 =	stileid.u32  }
0x19c: {  	s1 =	rddreg [dreg:$0x1];
	p0 =	sne.s32 s2, $0x0  }
0x19d: {  	s3 =	rddreg [dreg:$0x2];
	[bflag:$0x3] =	sbarrier.arrive $0xFFFF;
	s2 =	simm.s32 @!p0 $0x1C01  }
0x19e: {  	[timem:s3], [sflag:s2] =	dma.local @!p0 [hbm:s0], s1  }
0x19f: {  	s0 =	simm.s32 @!p0 $0x1  }
0x1a0: {  	_ =	swait.ge @!p0 [sflag:s0], s1  }
0x1a1: {  	s1 =	ssub.s32 @!p0 $0x0, s1;
	[sflag:s0] =	ssyncset.done @!p0 $0x0  }
0x1a2: {  	[sflag:s0] =	ssyncadd.s32 @!p0 s1  }
0x1a3: {  	[bflag:$0x3] =	sbarrier.arrive $0xFFFF  }
0x1a4: {  	_ =	shalt  }

</sc_bundles>
